<compile_context>
chip_gen: v7x
topology: tpu7x:2x2x1
jax: 0.10.2.dev20260603
libtpu: 0.0.44.dev20260713+nightly
codegen_flags: <defaults>
</compile_context>

<pallas_src>
import functools

import jax
import jax.numpy as jnp
from jax import lax
from jax.experimental import pallas as pl
from jax.experimental.pallas import tpu as pltpu
from jax.experimental.pallas import tpu_sc as plsc

NEG_SLOPE = 0.01
EPS = 1e-5
POINT_INFLUENCE = 0.05


def _leaky(a):
    return jnp.where(a >= 0, a, NEG_SLOPE * a)


def _stats(raw, st_ref, i, n_valid, bn):
    rid = i * bn + lax.broadcasted_iota(jnp.int32, (bn, 1), 0)
    rm = jnp.where(rid < n_valid, raw, 0.0)
    c = raw.shape[1]
    s = jnp.sum(rm, axis=0)[None, :]
    sq = jnp.sum(rm * rm, axis=0)[None, :]
    st_ref[...] = jnp.concatenate(
        [s, sq, jnp.zeros((6, c), jnp.float32)], axis=0)[None]


def _rbf(v):
    return v.astype(jnp.bfloat16).astype(jnp.float32)


def _dot(a, b):
    return jnp.dot(_rbf(a), _rbf(b), preferred_element_type=jnp.float32,
                   precision=jax.lax.Precision.HIGHEST)


def _mm_stats_body(x_ref, w_ref, b_ref, raw_ref, st_ref, *, n_valid, bn):
    i = pl.program_id(0)
    raw = _dot(x_ref[...], w_ref[...]) + b_ref[0, :]
    raw_ref[...] = raw
    _stats(raw, st_ref, i, n_valid, bn)


def _fc2_stats_body(w_ref, kpw_ref, w2_ref, b_ref, raw_ref, st_ref,
                    *, n_valid, bn):
    i = pl.program_id(0)
    xr = _dot(w_ref[...], kpw_ref[...])
    raw = _dot(xr, w2_ref[...]) + b_ref[0, :]
    raw_ref[...] = raw
    rid = i * bn + lax.broadcasted_iota(jnp.int32, (bn, 1), 0)
    rm = jnp.where(rid < n_valid, raw, 0.0)
    c = raw.shape[1]
    s = jnp.sum(rm, axis=0)[None, :]
    sq = jnp.sum(rm * rm, axis=0)[None, :]
    st_ref[...] = jnp.concatenate(
        [s, sq, jnp.zeros((6, c), jnp.float32)], axis=0)[None]


def _table_body(r_ref, p_ref, sc_ref, sh_ref, o_ref, *, bn):
    a = _leaky(r_ref[...] * sc_ref[0, :] + sh_ref[0, :])
    a = a.astype(jnp.bfloat16).astype(jnp.float32)
    o_ref[...] = jnp.concatenate(
        [a, p_ref[...], jnp.zeros((bn, 13), jnp.float32)], axis=1)


def _resid_body(x_ref, r_ref, sc_ref, sh_ref, o_ref):
    o_ref[...] = x_ref[...] + _leaky(r_ref[...] * sc_ref[0, :] + sh_ref[0, :])


def kernel(x, points, neighbor_idx, W1, b1, g1, beta1, kernel_points, kp_w,
           W2, b2, g2, beta2):
    N, C_IN = x.shape
    C_MID = W1.shape[1]
    K_N = neighbor_idx.shape[1]
    NKP = kernel_points.shape[0]
    C_OUT = W2.shape[1]

    NW = 32
    P_R = 24
    SG = 3
    NSG = P_R // SG
    KP_PAD = 40
    TBLW = 48
    ROUNDS = -(-N // (NW * P_R))
    CHUNK = ROUNDS * P_R
    NP_ = NW * CHUNK
    BN = 256
    G = NP_ // BN
    CW = NKP * C_MID

    pad = NP_ - N
    x_p = jnp.pad(x, ((0, pad), (0, 0)))
    pts_p = jnp.pad(points, ((0, pad), (0, 0)))
    idx_p = jnp.pad(neighbor_idx.astype(jnp.int32),
                    ((0, pad), (0, KP_PAD - K_N)))
    idxr = idx_p.reshape(NP_ * KP_PAD // (SG * KP_PAD), SG * KP_PAD)

    raw1, st1 = pl.pallas_call(
        functools.partial(_mm_stats_body, n_valid=N, bn=BN),
        grid=(G,),
        in_specs=[pl.BlockSpec((BN, C_IN), lambda i: (i, 0)),
                  pl.BlockSpec((C_IN, C_MID), lambda i: (0, 0)),
                  pl.BlockSpec((1, C_MID), lambda i: (0, 0))],
        out_specs=[pl.BlockSpec((BN, C_MID), lambda i: (i, 0)),
                   pl.BlockSpec((1, 8, C_MID), lambda i: (i, 0, 0))],
        out_shape=[jax.ShapeDtypeStruct((NP_, C_MID), jnp.float32),
                   jax.ShapeDtypeStruct((G, 8, C_MID), jnp.float32)],
    )(x_p, W1, b1.reshape(1, -1))
    mu1 = jnp.sum(st1[:, 0, :], axis=0) / N
    var1 = jnp.sum(st1[:, 1, :], axis=0) / N - mu1 * mu1
    sc1 = (g1 / jnp.sqrt(var1 + EPS)).reshape(1, -1)
    sh1 = (beta1 - mu1 * sc1[0]).reshape(1, -1)

    table = pl.pallas_call(
        functools.partial(_table_body, bn=BN),
        grid=(G,),
        in_specs=[pl.BlockSpec((BN, C_MID), lambda i: (i, 0)),
                  pl.BlockSpec((BN, 3), lambda i: (i, 0)),
                  pl.BlockSpec((1, C_MID), lambda i: (0, 0)),
                  pl.BlockSpec((1, C_MID), lambda i: (0, 0))],
        out_specs=pl.BlockSpec((BN, TBLW), lambda i: (i, 0)),
        out_shape=jax.ShapeDtypeStruct((NP_, TBLW), jnp.float32),
    )(raw1, pts_p, sc1, sh1)

    kpsq = jnp.sum(kernel_points ** 2, axis=-1)
    maxkp = jnp.sqrt(jnp.max(kpsq))
    slack = 0.3 * maxkp * (POINT_INFLUENCE + maxkp) + 2e-3
    bound = (POINT_INFLUENCE + maxkp + slack) ** 2
    kp_b = kernel_points.astype(jnp.bfloat16).astype(jnp.float32)
    kp_aug = jnp.zeros((8, 16), jnp.float32)
    kp_aug = kp_aug.at[0, :NKP].set(kp_b[:, 0])
    kp_aug = kp_aug.at[1, :NKP].set(kp_b[:, 1])
    kp_aug = kp_aug.at[2, :NKP].set(kp_b[:, 2])
    kp_aug = kp_aug.at[3, :NKP].set(kpsq)
    kp_aug = kp_aug.at[4, :].set(bound)

    IDX_RPW = CHUNK * KP_PAD // (SG * KP_PAD)

    mesh = plsc.VectorSubcoreMesh(core_axis_name="c", subcore_axis_name="s")

    @functools.partial(
        pl.kernel, mesh=mesh,
        compiler_params=pltpu.CompilerParams(use_tc_tiling_on_sc=False),
        out_type=jax.ShapeDtypeStruct((NP_, CW), jnp.float32),
        scratch_types=[
            pltpu.VMEM((NSG, SG * KP_PAD), jnp.int32),
            pltpu.VMEM((P_R * KP_PAD, TBLW), jnp.float32),
            pltpu.VMEM((P_R, TBLW), jnp.float32),
            pltpu.VMEM((P_R, CW), jnp.float32),
            pltpu.VMEM((8, 16), jnp.float32),
            pltpu.SemaphoreType.DMA,
        ],
    )
    def sc_weighted(table_h, idx_h, kp_h, out_h,
                    idx_vm, rows_vm, q_vm, out_vm, kp_vm, sem):
        wid = lax.axis_index("s") * 2 + lax.axis_index("c")
        pltpu.sync_copy(kp_h, kp_vm)
        kpx = kp_vm[0, :]
        kpy = kp_vm[1, :]
        kpz = kp_vm[2, :]
        kpsq_v = kp_vm[3, :]
        bnd = kp_vm[4, :][0]

        def round_body(r, carry):
            qbase = wid * CHUNK + r * P_R
            pltpu.sync_copy(idx_h.at[pl.ds(wid * IDX_RPW + r * NSG, NSG)],
                            idx_vm)
            cds = [pltpu.async_copy(
                table_h.at[idx_vm.at[sg]],
                rows_vm.at[pl.ds(sg * SG * KP_PAD, SG * KP_PAD)], sem)
                for sg in range(NSG)]
            pltpu.sync_copy(table_h.at[pl.ds(qbase, P_R)], q_vm)
            for cd in cds:
                cd.wait()

            def point_body(p, carry2):
                qv = q_vm[p, pl.ds(C_MID, 16)]
                rb = p * KP_PAD
                zv = jnp.zeros((16,), jnp.float32)
                for Ki in range(2 * NKP):
                    out_vm[p, pl.ds(Ki * 16, 16)] = zv

                def _round_bf16(v):
                    bi = lax.bitcast_convert_type(v, jnp.int32)
                    bi = ((bi + jnp.int32(0x7FFF) + ((bi >> 16) & 1))
                          & jnp.int32(-65536))
                    return lax.bitcast_convert_type(bi, jnp.float32)

                def neigh(kk, c3):
                    rr = rb + kk
                    cv = rows_vm[rr, pl.ds(C_MID, 16)]
                    dv = cv - qv
                    dx = dv[0]
                    dy = dv[1]
                    dz = dv[2]
                    d2 = dx * dx + dy * dy + dz * dz

                    @pl.when(d2 <= bnd)
                    def _():
                        f0 = rows_vm[rr, pl.ds(0, 16)]
                        f1 = rows_vm[rr, pl.ds(16, 16)]
                        dvb = _round_bf16(dv)
                        sq = jnp.maximum(
                            d2 + kpsq_v
                            - 2.0 * (dvb[0] * kpx + dvb[1] * kpy
                                     + dvb[2] * kpz), 0.0)
                        ib = lax.bitcast_convert_type(sq, jnp.int32)
                        z = lax.bitcast_convert_type(
                            jnp.int32(0x5F3759DF) - (ib >> 1), jnp.float32)
                        z = z * (1.5 - 0.5 * sq * z * z)
                        z = z * (1.5 - 0.5 * sq * z * z)
                        z = z * (1.5 - 0.5 * sq * z * z)
                        y = sq * z
                        infl = _round_bf16(jnp.maximum(
                            0.0, 1.0 - y * (1.0 / POINT_INFLUENCE)))
                        for Ki in range(NKP):
                            sK = infl[Ki]
                            plsc.addupdate(
                                out_vm.at[p, pl.ds(Ki * C_MID, 16)], sK * f0)
                            plsc.addupdate(
                                out_vm.at[p, pl.ds(Ki * C_MID + 16, 16)],
                                sK * f1)

                    return c3

                lax.fori_loop(0, K_N, neigh, 0)
                return carry2

            lax.fori_loop(0, P_R, point_body, 0)
            pltpu.sync_copy(out_vm, out_h.at[pl.ds(qbase, P_R)])
            return carry

        lax.fori_loop(0, ROUNDS, round_body, 0)

    weighted = sc_weighted(table, idxr, kp_aug)

    kpw_flat = kp_w.reshape(NKP * C_MID, C_MID)
    raw2, st2 = pl.pallas_call(
        functools.partial(_fc2_stats_body, n_valid=N, bn=BN),
        grid=(G,),
        in_specs=[pl.BlockSpec((BN, CW), lambda i: (i, 0)),
                  pl.BlockSpec((CW, C_MID), lambda i: (0, 0)),
                  pl.BlockSpec((C_MID, C_OUT), lambda i: (0, 0)),
                  pl.BlockSpec((1, C_OUT), lambda i: (0, 0))],
        out_specs=[pl.BlockSpec((BN, C_OUT), lambda i: (i, 0)),
                   pl.BlockSpec((1, 8, C_OUT), lambda i: (i, 0, 0))],
        out_shape=[jax.ShapeDtypeStruct((NP_, C_OUT), jnp.float32),
                   jax.ShapeDtypeStruct((G, 8, C_OUT), jnp.float32)],
    )(weighted, kpw_flat, W2, b2.reshape(1, -1))
    mu2 = jnp.sum(st2[:, 0, :], axis=0) / N
    var2 = jnp.sum(st2[:, 1, :], axis=0) / N - mu2 * mu2
    sc2 = (g2 / jnp.sqrt(var2 + EPS)).reshape(1, -1)
    sh2 = (beta2 - mu2 * sc2[0]).reshape(1, -1)

    out_p = pl.pallas_call(
        _resid_body,
        grid=(G,),
        in_specs=[pl.BlockSpec((BN, C_OUT), lambda i: (i, 0)),
                  pl.BlockSpec((BN, C_OUT), lambda i: (i, 0)),
                  pl.BlockSpec((1, C_OUT), lambda i: (0, 0)),
                  pl.BlockSpec((1, C_OUT), lambda i: (0, 0))],
        out_specs=pl.BlockSpec((BN, C_OUT), lambda i: (i, 0)),
        out_shape=jax.ShapeDtypeStruct((NP_, C_OUT), jnp.float32),
    )(x_p, raw2, sc2, sh2)
    return out_p[:N]

# --- scband reference (transcript-rebuilt; emitter-appended) ---
"""Pipeline reference for scband-kpconv-residual-block-420906795563 (READ-ONLY COPY).

The authoritative reference and input builder live on the scoring server;
editing this copy changes nothing except your own understanding.
"""

import jax, jax.numpy as jnp
import numpy as np

N = 50000
K_NEIGH = 34
N_KP = 15
C_IN = 128
C_OUT = 128
C_MID = C_OUT // 4
POINT_INFLUENCE = 0.05
EPS = 1e-5
NEG_SLOPE = 0.01


def batchnorm(h, gamma, beta):
    mu = jnp.mean(h, axis=0, keepdims=True)
    var = jnp.var(h, axis=0, keepdims=True)
    return (h - mu) / jnp.sqrt(var + EPS) * gamma + beta


def fc_layer(h, W, b, gamma, beta, activation=True):
    h = h @ W + b
    h = batchnorm(h, gamma, beta)
    if activation:
        h = jnp.where(h >= 0, h, NEG_SLOPE * h)
    return h


def kpconv(query_pts, support_pts, neighbor_idx, feats, kernel_points, kp_weights):
    # gather neighbor coordinates, center on query points: [N, k, 3]
    neighb_pts = support_pts[neighbor_idx] - query_pts[:, None, :]
    # squared distances to each kernel point: [N, k, K]
    sq_d = (jnp.sum(neighb_pts ** 2, axis=-1)[:, :, None]
            + jnp.sum(kernel_points ** 2, axis=-1)[None, None, :]
            - 2.0 * jnp.einsum('nkd,Kd->nkK', neighb_pts, kernel_points))
    sq_d = jnp.maximum(sq_d, 0.0)
    # linear kernel influence: [N, k, K]
    influence = jnp.maximum(0.0, 1.0 - jnp.sqrt(sq_d) / POINT_INFLUENCE)
    # gather neighbor features: [N, k, c]
    neighb_feats = feats[neighbor_idx]
    # aggregate per kernel point: [N, K, c]
    weighted = jnp.einsum('nkK,nkc->nKc', influence, neighb_feats)
    # apply per-kernel-point weight matrices and sum: [N, c_out]
    return jnp.einsum('nKc,Kco->no', weighted, kp_weights)


def setup_inputs(seed: int = 0) -> dict:
    key = jax.random.key(seed)
    ks = jax.random.split(key, 8)
    x = jax.random.normal(ks[0], (N, C_IN), dtype=jnp.float32)
    points = jax.random.uniform(ks[1], (N, 3), dtype=jnp.float32)
    neighbor_idx = jax.random.randint(ks[2], (N, K_NEIGH), 0, N)
    W1 = jax.random.normal(ks[3], (C_IN, C_MID), dtype=jnp.float32) / np.sqrt(C_IN)
    b1 = jnp.zeros((C_MID,), jnp.float32)
    g1 = jnp.ones((C_MID,), jnp.float32)
    beta1 = jnp.zeros((C_MID,), jnp.float32)
    kernel_points = jax.random.normal(ks[4], (N_KP, 3), dtype=jnp.float32) * POINT_INFLUENCE
    kp_w = jax.random.normal(ks[5], (N_KP, C_MID, C_MID), dtype=jnp.float32) / np.sqrt(N_KP * C_MID)
    W2 = jax.random.normal(ks[6], (C_MID, C_OUT), dtype=jnp.float32) / np.sqrt(C_MID)
    b2 = jnp.zeros((C_OUT,), jnp.float32)
    g2 = jnp.ones((C_OUT,), jnp.float32)
    beta2 = jnp.zeros((C_OUT,), jnp.float32)
    return {"x": x, "points": points, "neighbor_idx": neighbor_idx,
            "W1": W1, "b1": b1, "g1": g1, "beta1": beta1,
            "kernel_points": kernel_points, "kp_w": kp_w,
            "W2": W2, "b2": b2, "g2": g2, "beta2": beta2}


def reference(x, points, neighbor_idx, W1, b1, g1, beta1, kernel_points, kp_w, W2, b2, g2, beta2):
    # fc1: Linear -> BN -> LeakyReLU
    x_res = fc_layer(x, W1, b1, g1, beta1, activation=True)
    # KPConv (norm=Identity, activation=Identity inside residual block)
    x_res = kpconv(points, points, neighbor_idx, x_res, kernel_points, kp_w)
    # fc2: Linear -> BN -> LeakyReLU
    x_res = fc_layer(x_res, W2, b2, g2, beta2, activation=True)
    # projection: Identity since in_channels == out_channels
    return x + x_res

if __name__ == "__main__":
    import jax
    _d = setup_inputs()
    print(jax.jit(kernel)(*tuple(_d.values())))

</pallas_src>

<mosaic_0001>
#map = affine_map<(d0, d1) -> (0, 0)>
module attributes {stable_mosaic.version = 14 : i64} {
  func.func @sc_weighted(%arg0: i32, %arg1: i32, %arg2: memref<50688x48xf32, #tpu.memory_space<hbm>>, %arg3: memref<16896x120xi32, #tpu.memory_space<hbm>>, %arg4: memref<8x16xf32, #tpu.memory_space<hbm>>, %arg5: memref<50688x480xf32, #tpu.memory_space<hbm>>, %arg6: memref<8x120xi32, #tpu.memory_space<vmem>>, %arg7: memref<960x48xf32, #tpu.memory_space<vmem>>, %arg8: memref<24x48xf32, #tpu.memory_space<vmem>>, %arg9: memref<24x480xf32, #tpu.memory_space<vmem>>, %arg10: memref<8x16xf32, #tpu.memory_space<vmem>>, %arg11: memref<!tpu.dma_semaphore, #tpu.memory_space<semaphore_mem>>) attributes {dimension_semantics = [#tpu.dimension_semantics<core_parallel>, #tpu.dimension_semantics<subcore_parallel>], iteration_bounds = array<i64: 2, 16>, scalar_prefetch = 0 : i64, scratch_operands = 6 : i64, tpu.core_type = #tpu.core_type<sc_vector_subcore>, window_params = [{transform_indices = #map}, {transform_indices = #map}, {transform_indices = #map}, {transform_indices = #map}]} {
    %mul3A = arith.constant 2 : i32
    %mul3A_0 = arith.muli %arg1, %mul3A : i32
    %add3A = arith.addi %mul3A_0, %arg0 : i32
    "tpu.region"() ({
      %run_scoped3A = tpu.sem_alloc : memref<!tpu.dma_semaphore, #tpu.memory_space<semaphore_mem>>
      tpu.enqueue_dma source(%arg4 : memref<8x16xf32, #tpu.memory_space<hbm>>) target(%arg10 : memref<8x16xf32, #tpu.memory_space<vmem>>) target_semaphore(%run_scoped3A : memref<!tpu.dma_semaphore, #tpu.memory_space<semaphore_mem>>)
      tpu.wait_dma2 semaphore(%run_scoped3A : memref<!tpu.dma_semaphore, #tpu.memory_space<semaphore_mem>>) src(%arg4 : memref<8x16xf32, #tpu.memory_space<hbm>>) dst(%arg10 : memref<8x16xf32, #tpu.memory_space<vmem>>)
      tpu.yield
    }) : () -> ()
    %get3A = arith.constant 0 : i32
    %get3A_1 = arith.index_cast %get3A : i32 to index
    %get3A_2 = arith.constant 0 : index
    %get3A_3 = tpu.vector_load %arg10[%get3A_1, %get3A_2] {strides = array<i32>} : memref<8x16xf32, #tpu.memory_space<vmem>>, vector<1x16xf32>,
    %get3A_4 = vector.shape_cast %get3A_3 : vector<1x16xf32> to vector<16xf32>
    %get3A_5 = arith.constant 1 : i32
    %get3A_6 = arith.index_cast %get3A_5 : i32 to index
    %get3A_7 = arith.constant 0 : index
    %get3A_8 = tpu.vector_load %arg10[%get3A_6, %get3A_7] {strides = array<i32>} : memref<8x16xf32, #tpu.memory_space<vmem>>, vector<1x16xf32>,
    %get3A_9 = vector.shape_cast %get3A_8 : vector<1x16xf32> to vector<16xf32>
    %get3A_10 = arith.constant 2 : i32
    %get3A_11 = arith.index_cast %get3A_10 : i32 to index
    %get3A_12 = arith.constant 0 : index
    %get3A_13 = tpu.vector_load %arg10[%get3A_11, %get3A_12] {strides = array<i32>} : memref<8x16xf32, #tpu.memory_space<vmem>>, vector<1x16xf32>,
    %get3A_14 = vector.shape_cast %get3A_13 : vector<1x16xf32> to vector<16xf32>
    %get3A_15 = arith.constant 3 : i32
    %get3A_16 = arith.index_cast %get3A_15 : i32 to index
    %get3A_17 = arith.constant 0 : index
    %get3A_18 = tpu.vector_load %arg10[%get3A_16, %get3A_17] {strides = array<i32>} : memref<8x16xf32, #tpu.memory_space<vmem>>, vector<1x16xf32>,
    %get3A_19 = vector.shape_cast %get3A_18 : vector<1x16xf32> to vector<16xf32>
    %get3A_20 = arith.constant 4 : i32
    %get3A_21 = arith.index_cast %get3A_20 : i32 to index
    %get3A_22 = arith.constant 0 : index
    %get3A_23 = tpu.vector_load %arg10[%get3A_21, %get3A_22] {strides = array<i32>} : memref<8x16xf32, #tpu.memory_space<vmem>>, vector<1x16xf32>,
    %get3A_24 = vector.shape_cast %get3A_23 : vector<1x16xf32> to vector<16xf32>
    %slice3A = vector.extract_strided_slice %get3A_24 {offsets = [0], sizes = [1], strides = [1]} : vector<16xf32> to vector<1xf32>
    %squeeze3A = vector.extract %slice3A[0] : f32 from vector<1xf32>
    %scan3A = arith.constant 0 : i32
    %scan3A_25 = arith.constant 0 : i32
    %scan3A_26 = arith.constant 66 : i32
    %scan3A_27 = arith.addi %scan3A_25, %scan3A_26 : i32
    %scan3A_28 = arith.constant 1 : i32
    scf.for %scan3A_30 = %scan3A_25 to %scan3A_27 step %scan3A_28  : i32 {
      %mul3A_31 = arith.constant 1584 : i32
      %mul3A_32 = arith.muli %add3A, %mul3A_31 : i32
      %mul3A_33 = arith.constant 24 : i32
      %mul3A_34 = arith.muli %scan3A_30, %mul3A_33 : i32
      %add3A_35 = arith.addi %mul3A_32, %mul3A_34 : i32
      %mul3A_36 = arith.constant 528 : i32
      %mul3A_37 = arith.muli %add3A, %mul3A_36 : i32
      %mul3A_38 = arith.constant 8 : i32
      %mul3A_39 = arith.muli %scan3A_30, %mul3A_38 : i32
      %add3A_40 = arith.addi %mul3A_37, %mul3A_39 : i32
      "tpu.region"() ({
        %run_scoped3A = tpu.sem_alloc : memref<!tpu.dma_semaphore, #tpu.memory_space<semaphore_mem>>
        %dma_start3A_205 = arith.constant 0 : i32
        %dma_start3A_206 = tpu.memref_slice %arg3[%add3A_40, %dma_start3A_205] : memref<16896x120xi32, #tpu.memory_space<hbm>> -> memref<8x120xi32, #tpu.memory_space<hbm>>
        %dma_start3A_207 = arith.constant 0 : i32
        %dma_start3A_208 = tpu.memref_slice %arg3[%add3A_40, %dma_start3A_207] : memref<16896x120xi32, #tpu.memory_space<hbm>> -> memref<8x120xi32, #tpu.memory_space<hbm>>
        tpu.enqueue_dma source(%dma_start3A_208 : memref<8x120xi32, #tpu.memory_space<hbm>>) target(%arg6 : memref<8x120xi32, #tpu.memory_space<vmem>>) target_semaphore(%run_scoped3A : memref<!tpu.dma_semaphore, #tpu.memory_space<semaphore_mem>>)
        %dma_wait3A_209 = arith.constant 0 : i32
        %dma_wait3A_210 = tpu.memref_slice %arg3[%add3A_40, %dma_wait3A_209] : memref<16896x120xi32, #tpu.memory_space<hbm>> -> memref<8x120xi32, #tpu.memory_space<hbm>>
        %dma_wait3A_211 = arith.constant 0 : i32
        %dma_wait3A_212 = tpu.memref_slice %arg3[%add3A_40, %dma_wait3A_211] : memref<16896x120xi32, #tpu.memory_space<hbm>> -> memref<8x120xi32, #tpu.memory_space<hbm>>
        tpu.wait_dma2 semaphore(%run_scoped3A : memref<!tpu.dma_semaphore, #tpu.memory_space<semaphore_mem>>) src(%dma_wait3A_212 : memref<8x120xi32, #tpu.memory_space<hbm>>) dst(%arg6 : memref<8x120xi32, #tpu.memory_space<vmem>>)
        tpu.yield
      }) : () -> ()
      %dma_start3A = arith.constant 0 : i32
      %dma_start3A_41 = arith.constant 0 : i32
      %dma_start3A_42 = arith.constant 0 : i32
      %dma_start3A_43 = tpu.memref_slice %arg7[%dma_start3A_41, %dma_start3A_42] : memref<960x48xf32, #tpu.memory_space<vmem>> -> memref<120x48xf32, #tpu.memory_space<vmem>>
      %dma_start3A_44 = arith.constant 0 : i32
      %dma_start3A_45 = tpu.memref_slice %arg6[%dma_start3A, %dma_start3A_44] : memref<8x120xi32, #tpu.memory_space<vmem>> -> memref<1x120xi32, #tpu.memory_space<vmem>>
      %dma_start3A_46 = tpu.memref_squeeze %dma_start3A_45 : memref<1x120xi32, #tpu.memory_space<vmem>> -> memref<120xi32, #tpu.memory_space<vmem>>
      %dma_start3A_47 = arith.constant 0 : i32
      %dma_start3A_48 = arith.constant 0 : i32
      %dma_start3A_49 = tpu.memref_slice %arg2[%dma_start3A_47, %dma_start3A_48] : memref<50688x48xf32, #tpu.memory_space<hbm>> -> memref<50688x48xf32, #tpu.memory_space<hbm>>
      tpu.enqueue_indirect_dma source(%dma_start3A_49 : memref<50688x48xf32, #tpu.memory_space<hbm>>) target(%dma_start3A_43 : memref<120x48xf32, #tpu.memory_space<vmem>>) offsets(%dma_start3A_46 : memref<120xi32, #tpu.memory_space<vmem>>) semaphore(%arg11 : memref<!tpu.dma_semaphore, #tpu.memory_space<semaphore_mem>>)
      %dma_start3A_50 = arith.constant 1 : i32
      %dma_start3A_51 = arith.constant 120 : i32
      %dma_start3A_52 = arith.constant 0 : i32
      %dma_start3A_53 = tpu.memref_slice %arg7[%dma_start3A_51, %dma_start3A_52] : memref<960x48xf32, #tpu.memory_space<vmem>> -> memref<120x48xf32, #tpu.memory_space<vmem>>
      %dma_start3A_54 = arith.constant 0 : i32
      %dma_start3A_55 = tpu.memref_slice %arg6[%dma_start3A_50, %dma_start3A_54] : memref<8x120xi32, #tpu.memory_space<vmem>> -> memref<1x120xi32, #tpu.memory_space<vmem>>
      %dma_start3A_56 = tpu.memref_squeeze %dma_start3A_55 : memref<1x120xi32, #tpu.memory_space<vmem>> -> memref<120xi32, #tpu.memory_space<vmem>>
      %dma_start3A_57 = arith.constant 0 : i32
      %dma_start3A_58 = arith.constant 0 : i32
      %dma_start3A_59 = tpu.memref_slice %arg2[%dma_start3A_57, %dma_start3A_58] : memref<50688x48xf32, #tpu.memory_space<hbm>> -> memref<50688x48xf32, #tpu.memory_space<hbm>>
      tpu.enqueue_indirect_dma source(%dma_start3A_59 : memref<50688x48xf32, #tpu.memory_space<hbm>>) target(%dma_start3A_53 : memref<120x48xf32, #tpu.memory_space<vmem>>) offsets(%dma_start3A_56 : memref<120xi32, #tpu.memory_space<vmem>>) semaphore(%arg11 : memref<!tpu.dma_semaphore, #tpu.memory_space<semaphore_mem>>)
      %dma_start3A_60 = arith.constant 2 : i32
      %dma_start3A_61 = arith.constant 240 : i32
      %dma_start3A_62 = arith.constant 0 : i32
      %dma_start3A_63 = tpu.memref_slice %arg7[%dma_start3A_61, %dma_start3A_62] : memref<960x48xf32, #tpu.memory_space<vmem>> -> memref<120x48xf32, #tpu.memory_space<vmem>>
      %dma_start3A_64 = arith.constant 0 : i32
      %dma_start3A_65 = tpu.memref_slice %arg6[%dma_start3A_60, %dma_start3A_64] : memref<8x120xi32, #tpu.memory_space<vmem>> -> memref<1x120xi32, #tpu.memory_space<vmem>>
      %dma_start3A_66 = tpu.memref_squeeze %dma_start3A_65 : memref<1x120xi32, #tpu.memory_space<vmem>> -> memref<120xi32, #tpu.memory_space<vmem>>
      %dma_start3A_67 = arith.constant 0 : i32
      %dma_start3A_68 = arith.constant 0 : i32
      %dma_start3A_69 = tpu.memref_slice %arg2[%dma_start3A_67, %dma_start3A_68] : memref<50688x48xf32, #tpu.memory_space<hbm>> -> memref<50688x48xf32, #tpu.memory_space<hbm>>
      tpu.enqueue_indirect_dma source(%dma_start3A_69 : memref<50688x48xf32, #tpu.memory_space<hbm>>) target(%dma_start3A_63 : memref<120x48xf32, #tpu.memory_space<vmem>>) offsets(%dma_start3A_66 : memref<120xi32, #tpu.memory_space<vmem>>) semaphore(%arg11 : memref<!tpu.dma_semaphore, #tpu.memory_space<semaphore_mem>>)
      %dma_start3A_70 = arith.constant 3 : i32
      %dma_start3A_71 = arith.constant 360 : i32
      %dma_start3A_72 = arith.constant 0 : i32
      %dma_start3A_73 = tpu.memref_slice %arg7[%dma_start3A_71, %dma_start3A_72] : memref<960x48xf32, #tpu.memory_space<vmem>> -> memref<120x48xf32, #tpu.memory_space<vmem>>
      %dma_start3A_74 = arith.constant 0 : i32
      %dma_start3A_75 = tpu.memref_slice %arg6[%dma_start3A_70, %dma_start3A_74] : memref<8x120xi32, #tpu.memory_space<vmem>> -> memref<1x120xi32, #tpu.memory_space<vmem>>
      %dma_start3A_76 = tpu.memref_squeeze %dma_start3A_75 : memref<1x120xi32, #tpu.memory_space<vmem>> -> memref<120xi32, #tpu.memory_space<vmem>>
      %dma_start3A_77 = arith.constant 0 : i32
      %dma_start3A_78 = arith.constant 0 : i32
      %dma_start3A_79 = tpu.memref_slice %arg2[%dma_start3A_77, %dma_start3A_78] : memref<50688x48xf32, #tpu.memory_space<hbm>> -> memref<50688x48xf32, #tpu.memory_space<hbm>>
      tpu.enqueue_indirect_dma source(%dma_start3A_79 : memref<50688x48xf32, #tpu.memory_space<hbm>>) target(%dma_start3A_73 : memref<120x48xf32, #tpu.memory_space<vmem>>) offsets(%dma_start3A_76 : memref<120xi32, #tpu.memory_space<vmem>>) semaphore(%arg11 : memref<!tpu.dma_semaphore, #tpu.memory_space<semaphore_mem>>)
      %dma_start3A_80 = arith.constant 4 : i32
      %dma_start3A_81 = arith.constant 480 : i32
      %dma_start3A_82 = arith.constant 0 : i32
      %dma_start3A_83 = tpu.memref_slice %arg7[%dma_start3A_81, %dma_start3A_82] : memref<960x48xf32, #tpu.memory_space<vmem>> -> memref<120x48xf32, #tpu.memory_space<vmem>>
      %dma_start3A_84 = arith.constant 0 : i32
      %dma_start3A_85 = tpu.memref_slice %arg6[%dma_start3A_80, %dma_start3A_84] : memref<8x120xi32, #tpu.memory_space<vmem>> -> memref<1x120xi32, #tpu.memory_space<vmem>>
      %dma_start3A_86 = tpu.memref_squeeze %dma_start3A_85 : memref<1x120xi32, #tpu.memory_space<vmem>> -> memref<120xi32, #tpu.memory_space<vmem>>
      %dma_start3A_87 = arith.constant 0 : i32
      %dma_start3A_88 = arith.constant 0 : i32
      %dma_start3A_89 = tpu.memref_slice %arg2[%dma_start3A_87, %dma_start3A_88] : memref<50688x48xf32, #tpu.memory_space<hbm>> -> memref<50688x48xf32, #tpu.memory_space<hbm>>
      tpu.enqueue_indirect_dma source(%dma_start3A_89 : memref<50688x48xf32, #tpu.memory_space<hbm>>) target(%dma_start3A_83 : memref<120x48xf32, #tpu.memory_space<vmem>>) offsets(%dma_start3A_86 : memref<120xi32, #tpu.memory_space<vmem>>) semaphore(%arg11 : memref<!tpu.dma_semaphore, #tpu.memory_space<semaphore_mem>>)
      %dma_start3A_90 = arith.constant 5 : i32
      %dma_start3A_91 = arith.constant 600 : i32
      %dma_start3A_92 = arith.constant 0 : i32
      %dma_start3A_93 = tpu.memref_slice %arg7[%dma_start3A_91, %dma_start3A_92] : memref<960x48xf32, #tpu.memory_space<vmem>> -> memref<120x48xf32, #tpu.memory_space<vmem>>
      %dma_start3A_94 = arith.constant 0 : i32
      %dma_start3A_95 = tpu.memref_slice %arg6[%dma_start3A_90, %dma_start3A_94] : memref<8x120xi32, #tpu.memory_space<vmem>> -> memref<1x120xi32, #tpu.memory_space<vmem>>
      %dma_start3A_96 = tpu.memref_squeeze %dma_start3A_95 : memref<1x120xi32, #tpu.memory_space<vmem>> -> memref<120xi32, #tpu.memory_space<vmem>>
      %dma_start3A_97 = arith.constant 0 : i32
      %dma_start3A_98 = arith.constant 0 : i32
      %dma_start3A_99 = tpu.memref_slice %arg2[%dma_start3A_97, %dma_start3A_98] : memref<50688x48xf32, #tpu.memory_space<hbm>> -> memref<50688x48xf32, #tpu.memory_space<hbm>>
      tpu.enqueue_indirect_dma source(%dma_start3A_99 : memref<50688x48xf32, #tpu.memory_space<hbm>>) target(%dma_start3A_93 : memref<120x48xf32, #tpu.memory_space<vmem>>) offsets(%dma_start3A_96 : memref<120xi32, #tpu.memory_space<vmem>>) semaphore(%arg11 : memref<!tpu.dma_semaphore, #tpu.memory_space<semaphore_mem>>)
      %dma_start3A_100 = arith.constant 6 : i32
      %dma_start3A_101 = arith.constant 720 : i32
      %dma_start3A_102 = arith.constant 0 : i32
      %dma_start3A_103 = tpu.memref_slice %arg7[%dma_start3A_101, %dma_start3A_102] : memref<960x48xf32, #tpu.memory_space<vmem>> -> memref<120x48xf32, #tpu.memory_space<vmem>>
      %dma_start3A_104 = arith.constant 0 : i32
      %dma_start3A_105 = tpu.memref_slice %arg6[%dma_start3A_100, %dma_start3A_104] : memref<8x120xi32, #tpu.memory_space<vmem>> -> memref<1x120xi32, #tpu.memory_space<vmem>>
      %dma_start3A_106 = tpu.memref_squeeze %dma_start3A_105 : memref<1x120xi32, #tpu.memory_space<vmem>> -> memref<120xi32, #tpu.memory_space<vmem>>
      %dma_start3A_107 = arith.constant 0 : i32
      %dma_start3A_108 = arith.constant 0 : i32
      %dma_start3A_109 = tpu.memref_slice %arg2[%dma_start3A_107, %dma_start3A_108] : memref<50688x48xf32, #tpu.memory_space<hbm>> -> memref<50688x48xf32, #tpu.memory_space<hbm>>
      tpu.enqueue_indirect_dma source(%dma_start3A_109 : memref<50688x48xf32, #tpu.memory_space<hbm>>) target(%dma_start3A_103 : memref<120x48xf32, #tpu.memory_space<vmem>>) offsets(%dma_start3A_106 : memref<120xi32, #tpu.memory_space<vmem>>) semaphore(%arg11 : memref<!tpu.dma_semaphore, #tpu.memory_space<semaphore_mem>>)
      %dma_start3A_110 = arith.constant 7 : i32
      %dma_start3A_111 = arith.constant 840 : i32
      %dma_start3A_112 = arith.constant 0 : i32
      %dma_start3A_113 = tpu.memref_slice %arg7[%dma_start3A_111, %dma_start3A_112] : memref<960x48xf32, #tpu.memory_space<vmem>> -> memref<120x48xf32, #tpu.memory_space<vmem>>
      %dma_start3A_114 = arith.constant 0 : i32
      %dma_start3A_115 = tpu.memref_slice %arg6[%dma_start3A_110, %dma_start3A_114] : memref<8x120xi32, #tpu.memory_space<vmem>> -> memref<1x120xi32, #tpu.memory_space<vmem>>
      %dma_start3A_116 = tpu.memref_squeeze %dma_start3A_115 : memref<1x120xi32, #tpu.memory_space<vmem>> -> memref<120xi32, #tpu.memory_space<vmem>>
      %dma_start3A_117 = arith.constant 0 : i32
      %dma_start3A_118 = arith.constant 0 : i32
      %dma_start3A_119 = tpu.memref_slice %arg2[%dma_start3A_117, %dma_start3A_118] : memref<50688x48xf32, #tpu.memory_space<hbm>> -> memref<50688x48xf32, #tpu.memory_space<hbm>>
      tpu.enqueue_indirect_dma source(%dma_start3A_119 : memref<50688x48xf32, #tpu.memory_space<hbm>>) target(%dma_start3A_113 : memref<120x48xf32, #tpu.memory_space<vmem>>) offsets(%dma_start3A_116 : memref<120xi32, #tpu.memory_space<vmem>>) semaphore(%arg11 : memref<!tpu.dma_semaphore, #tpu.memory_space<semaphore_mem>>)
      "tpu.region"() ({
        %run_scoped3A = tpu.sem_alloc : memref<!tpu.dma_semaphore, #tpu.memory_space<semaphore_mem>>
        %dma_start3A_205 = arith.constant 0 : i32
        %dma_start3A_206 = tpu.memref_slice %arg2[%add3A_35, %dma_start3A_205] : memref<50688x48xf32, #tpu.memory_space<hbm>> -> memref<24x48xf32, #tpu.memory_space<hbm>>
        %dma_start3A_207 = arith.constant 0 : i32
        %dma_start3A_208 = tpu.memref_slice %arg2[%add3A_35, %dma_start3A_207] : memref<50688x48xf32, #tpu.memory_space<hbm>> -> memref<24x48xf32, #tpu.memory_space<hbm>>
        tpu.enqueue_dma source(%dma_start3A_208 : memref<24x48xf32, #tpu.memory_space<hbm>>) target(%arg8 : memref<24x48xf32, #tpu.memory_space<vmem>>) target_semaphore(%run_scoped3A : memref<!tpu.dma_semaphore, #tpu.memory_space<semaphore_mem>>)
        %dma_wait3A_209 = arith.constant 0 : i32
        %dma_wait3A_210 = tpu.memref_slice %arg2[%add3A_35, %dma_wait3A_209] : memref<50688x48xf32, #tpu.memory_space<hbm>> -> memref<24x48xf32, #tpu.memory_space<hbm>>
        %dma_wait3A_211 = arith.constant 0 : i32
        %dma_wait3A_212 = tpu.memref_slice %arg2[%add3A_35, %dma_wait3A_211] : memref<50688x48xf32, #tpu.memory_space<hbm>> -> memref<24x48xf32, #tpu.memory_space<hbm>>
        tpu.wait_dma2 semaphore(%run_scoped3A : memref<!tpu.dma_semaphore, #tpu.memory_space<semaphore_mem>>) src(%dma_wait3A_212 : memref<24x48xf32, #tpu.memory_space<hbm>>) dst(%arg8 : memref<24x48xf32, #tpu.memory_space<vmem>>)
        tpu.yield
      }) : () -> ()
      %dma_wait3A = arith.constant 0 : i32
      %dma_wait3A_120 = arith.constant 0 : i32
      %dma_wait3A_121 = arith.constant 0 : i32
      %dma_wait3A_122 = tpu.memref_slice %arg7[%dma_wait3A_120, %dma_wait3A_121] : memref<960x48xf32, #tpu.memory_space<vmem>> -> memref<120x48xf32, #tpu.memory_space<vmem>>
      %dma_wait3A_123 = arith.constant 0 : i32
      %dma_wait3A_124 = tpu.memref_slice %arg6[%dma_wait3A, %dma_wait3A_123] : memref<8x120xi32, #tpu.memory_space<vmem>> -> memref<1x120xi32, #tpu.memory_space<vmem>>
      %dma_wait3A_125 = tpu.memref_squeeze %dma_wait3A_124 : memref<1x120xi32, #tpu.memory_space<vmem>> -> memref<120xi32, #tpu.memory_space<vmem>>
      %dma_wait3A_126 = arith.constant 0 : i32
      %dma_wait3A_127 = arith.constant 0 : i32
      %dma_wait3A_128 = tpu.memref_slice %arg2[%dma_wait3A_126, %dma_wait3A_127] : memref<50688x48xf32, #tpu.memory_space<hbm>> -> memref<50688x48xf32, #tpu.memory_space<hbm>>
      tpu.wait_indirect_dma semaphore(%arg11 : memref<!tpu.dma_semaphore, #tpu.memory_space<semaphore_mem>>) src(%dma_wait3A_128 : memref<50688x48xf32, #tpu.memory_space<hbm>>) dst(%dma_wait3A_122 : memref<120x48xf32, #tpu.memory_space<vmem>>)
      %dma_wait3A_129 = arith.constant 1 : i32
      %dma_wait3A_130 = arith.constant 120 : i32
      %dma_wait3A_131 = arith.constant 0 : i32
      %dma_wait3A_132 = tpu.memref_slice %arg7[%dma_wait3A_130, %dma_wait3A_131] : memref<960x48xf32, #tpu.memory_space<vmem>> -> memref<120x48xf32, #tpu.memory_space<vmem>>
      %dma_wait3A_133 = arith.constant 0 : i32
      %dma_wait3A_134 = tpu.memref_slice %arg6[%dma_wait3A_129, %dma_wait3A_133] : memref<8x120xi32, #tpu.memory_space<vmem>> -> memref<1x120xi32, #tpu.memory_space<vmem>>
      %dma_wait3A_135 = tpu.memref_squeeze %dma_wait3A_134 : memref<1x120xi32, #tpu.memory_space<vmem>> -> memref<120xi32, #tpu.memory_space<vmem>>
      %dma_wait3A_136 = arith.constant 0 : i32
      %dma_wait3A_137 = arith.constant 0 : i32
      %dma_wait3A_138 = tpu.memref_slice %arg2[%dma_wait3A_136, %dma_wait3A_137] : memref<50688x48xf32, #tpu.memory_space<hbm>> -> memref<50688x48xf32, #tpu.memory_space<hbm>>
      tpu.wait_indirect_dma semaphore(%arg11 : memref<!tpu.dma_semaphore, #tpu.memory_space<semaphore_mem>>) src(%dma_wait3A_138 : memref<50688x48xf32, #tpu.memory_space<hbm>>) dst(%dma_wait3A_132 : memref<120x48xf32, #tpu.memory_space<vmem>>)
      %dma_wait3A_139 = arith.constant 2 : i32
      %dma_wait3A_140 = arith.constant 240 : i32
      %dma_wait3A_141 = arith.constant 0 : i32
      %dma_wait3A_142 = tpu.memref_slice %arg7[%dma_wait3A_140, %dma_wait3A_141] : memref<960x48xf32, #tpu.memory_space<vmem>> -> memref<120x48xf32, #tpu.memory_space<vmem>>
      %dma_wait3A_143 = arith.constant 0 : i32
      %dma_wait3A_144 = tpu.memref_slice %arg6[%dma_wait3A_139, %dma_wait3A_143] : memref<8x120xi32, #tpu.memory_space<vmem>> -> memref<1x120xi32, #tpu.memory_space<vmem>>
      %dma_wait3A_145 = tpu.memref_squeeze %dma_wait3A_144 : memref<1x120xi32, #tpu.memory_space<vmem>> -> memref<120xi32, #tpu.memory_space<vmem>>
      %dma_wait3A_146 = arith.constant 0 : i32
      %dma_wait3A_147 = arith.constant 0 : i32
      %dma_wait3A_148 = tpu.memref_slice %arg2[%dma_wait3A_146, %dma_wait3A_147] : memref<50688x48xf32, #tpu.memory_space<hbm>> -> memref<50688x48xf32, #tpu.memory_space<hbm>>
      tpu.wait_indirect_dma semaphore(%arg11 : memref<!tpu.dma_semaphore, #tpu.memory_space<semaphore_mem>>) src(%dma_wait3A_148 : memref<50688x48xf32, #tpu.memory_space<hbm>>) dst(%dma_wait3A_142 : memref<120x48xf32, #tpu.memory_space<vmem>>)
      %dma_wait3A_149 = arith.constant 3 : i32
      %dma_wait3A_150 = arith.constant 360 : i32
      %dma_wait3A_151 = arith.constant 0 : i32
      %dma_wait3A_152 = tpu.memref_slice %arg7[%dma_wait3A_150, %dma_wait3A_151] : memref<960x48xf32, #tpu.memory_space<vmem>> -> memref<120x48xf32, #tpu.memory_space<vmem>>
      %dma_wait3A_153 = arith.constant 0 : i32
      %dma_wait3A_154 = tpu.memref_slice %arg6[%dma_wait3A_149, %dma_wait3A_153] : memref<8x120xi32, #tpu.memory_space<vmem>> -> memref<1x120xi32, #tpu.memory_space<vmem>>
      %dma_wait3A_155 = tpu.memref_squeeze %dma_wait3A_154 : memref<1x120xi32, #tpu.memory_space<vmem>> -> memref<120xi32, #tpu.memory_space<vmem>>
      %dma_wait3A_156 = arith.constant 0 : i32
      %dma_wait3A_157 = arith.constant 0 : i32
      %dma_wait3A_158 = tpu.memref_slice %arg2[%dma_wait3A_156, %dma_wait3A_157] : memref<50688x48xf32, #tpu.memory_space<hbm>> -> memref<50688x48xf32, #tpu.memory_space<hbm>>
      tpu.wait_indirect_dma semaphore(%arg11 : memref<!tpu.dma_semaphore, #tpu.memory_space<semaphore_mem>>) src(%dma_wait3A_158 : memref<50688x48xf32, #tpu.memory_space<hbm>>) dst(%dma_wait3A_152 : memref<120x48xf32, #tpu.memory_space<vmem>>)
      %dma_wait3A_159 = arith.constant 4 : i32
      %dma_wait3A_160 = arith.constant 480 : i32
      %dma_wait3A_161 = arith.constant 0 : i32
      %dma_wait3A_162 = tpu.memref_slice %arg7[%dma_wait3A_160, %dma_wait3A_161] : memref<960x48xf32, #tpu.memory_space<vmem>> -> memref<120x48xf32, #tpu.memory_space<vmem>>
      %dma_wait3A_163 = arith.constant 0 : i32
      %dma_wait3A_164 = tpu.memref_slice %arg6[%dma_wait3A_159, %dma_wait3A_163] : memref<8x120xi32, #tpu.memory_space<vmem>> -> memref<1x120xi32, #tpu.memory_space<vmem>>
      %dma_wait3A_165 = tpu.memref_squeeze %dma_wait3A_164 : memref<1x120xi32, #tpu.memory_space<vmem>> -> memref<120xi32, #tpu.memory_space<vmem>>
      %dma_wait3A_166 = arith.constant 0 : i32
      %dma_wait3A_167 = arith.constant 0 : i32
      %dma_wait3A_168 = tpu.memref_slice %arg2[%dma_wait3A_166, %dma_wait3A_167] : memref<50688x48xf32, #tpu.memory_space<hbm>> -> memref<50688x48xf32, #tpu.memory_space<hbm>>
      tpu.wait_indirect_dma semaphore(%arg11 : memref<!tpu.dma_semaphore, #tpu.memory_space<semaphore_mem>>) src(%dma_wait3A_168 : memref<50688x48xf32, #tpu.memory_space<hbm>>) dst(%dma_wait3A_162 : memref<120x48xf32, #tpu.memory_space<vmem>>)
      %dma_wait3A_169 = arith.constant 5 : i32
      %dma_wait3A_170 = arith.constant 600 : i32
      %dma_wait3A_171 = arith.constant 0 : i32
      %dma_wait3A_172 = tpu.memref_slice %arg7[%dma_wait3A_170, %dma_wait3A_171] : memref<960x48xf32, #tpu.memory_space<vmem>> -> memref<120x48xf32, #tpu.memory_space<vmem>>
      %dma_wait3A_173 = arith.constant 0 : i32
      %dma_wait3A_174 = tpu.memref_slice %arg6[%dma_wait3A_169, %dma_wait3A_173] : memref<8x120xi32, #tpu.memory_space<vmem>> -> memref<1x120xi32, #tpu.memory_space<vmem>>
      %dma_wait3A_175 = tpu.memref_squeeze %dma_wait3A_174 : memref<1x120xi32, #tpu.memory_space<vmem>> -> memref<120xi32, #tpu.memory_space<vmem>>
      %dma_wait3A_176 = arith.constant 0 : i32
      %dma_wait3A_177 = arith.constant 0 : i32
      %dma_wait3A_178 = tpu.memref_slice %arg2[%dma_wait3A_176, %dma_wait3A_177] : memref<50688x48xf32, #tpu.memory_space<hbm>> -> memref<50688x48xf32, #tpu.memory_space<hbm>>
      tpu.wait_indirect_dma semaphore(%arg11 : memref<!tpu.dma_semaphore, #tpu.memory_space<semaphore_mem>>) src(%dma_wait3A_178 : memref<50688x48xf32, #tpu.memory_space<hbm>>) dst(%dma_wait3A_172 : memref<120x48xf32, #tpu.memory_space<vmem>>)
      %dma_wait3A_179 = arith.constant 6 : i32
      %dma_wait3A_180 = arith.constant 720 : i32
      %dma_wait3A_181 = arith.constant 0 : i32
      %dma_wait3A_182 = tpu.memref_slice %arg7[%dma_wait3A_180, %dma_wait3A_181] : memref<960x48xf32, #tpu.memory_space<vmem>> -> memref<120x48xf32, #tpu.memory_space<vmem>>
      %dma_wait3A_183 = arith.constant 0 : i32
      %dma_wait3A_184 = tpu.memref_slice %arg6[%dma_wait3A_179, %dma_wait3A_183] : memref<8x120xi32, #tpu.memory_space<vmem>> -> memref<1x120xi32, #tpu.memory_space<vmem>>
      %dma_wait3A_185 = tpu.memref_squeeze %dma_wait3A_184 : memref<1x120xi32, #tpu.memory_space<vmem>> -> memref<120xi32, #tpu.memory_space<vmem>>
      %dma_wait3A_186 = arith.constant 0 : i32
      %dma_wait3A_187 = arith.constant 0 : i32
      %dma_wait3A_188 = tpu.memref_slice %arg2[%dma_wait3A_186, %dma_wait3A_187] : memref<50688x48xf32, #tpu.memory_space<hbm>> -> memref<50688x48xf32, #tpu.memory_space<hbm>>
      tpu.wait_indirect_dma semaphore(%arg11 : memref<!tpu.dma_semaphore, #tpu.memory_space<semaphore_mem>>) src(%dma_wait3A_188 : memref<50688x48xf32, #tpu.memory_space<hbm>>) dst(%dma_wait3A_182 : memref<120x48xf32, #tpu.memory_space<vmem>>)
      %dma_wait3A_189 = arith.constant 7 : i32
      %dma_wait3A_190 = arith.constant 840 : i32
      %dma_wait3A_191 = arith.constant 0 : i32
      %dma_wait3A_192 = tpu.memref_slice %arg7[%dma_wait3A_190, %dma_wait3A_191] : memref<960x48xf32, #tpu.memory_space<vmem>> -> memref<120x48xf32, #tpu.memory_space<vmem>>
      %dma_wait3A_193 = arith.constant 0 : i32
      %dma_wait3A_194 = tpu.memref_slice %arg6[%dma_wait3A_189, %dma_wait3A_193] : memref<8x120xi32, #tpu.memory_space<vmem>> -> memref<1x120xi32, #tpu.memory_space<vmem>>
      %dma_wait3A_195 = tpu.memref_squeeze %dma_wait3A_194 : memref<1x120xi32, #tpu.memory_space<vmem>> -> memref<120xi32, #tpu.memory_space<vmem>>
      %dma_wait3A_196 = arith.constant 0 : i32
      %dma_wait3A_197 = arith.constant 0 : i32
      %dma_wait3A_198 = tpu.memref_slice %arg2[%dma_wait3A_196, %dma_wait3A_197] : memref<50688x48xf32, #tpu.memory_space<hbm>> -> memref<50688x48xf32, #tpu.memory_space<hbm>>
      tpu.wait_indirect_dma semaphore(%arg11 : memref<!tpu.dma_semaphore, #tpu.memory_space<semaphore_mem>>) src(%dma_wait3A_198 : memref<50688x48xf32, #tpu.memory_space<hbm>>) dst(%dma_wait3A_192 : memref<120x48xf32, #tpu.memory_space<vmem>>)
      %scan3A_199 = arith.constant 0 : i32
      %scan3A_200 = arith.constant 0 : i32
      %scan3A_201 = arith.constant 24 : i32
      %scan3A_202 = arith.addi %scan3A_200, %scan3A_201 : i32
      %scan3A_203 = arith.constant 1 : i32
      scf.for %scan3A_205 = %scan3A_200 to %scan3A_202 step %scan3A_203  : i32 {
        %get3A_206 = arith.index_cast %scan3A_205 : i32 to index
        %get3A_207 = arith.constant 32 : index
        %get3A_208 = tpu.vector_load %arg8[%get3A_206, %get3A_207] {strides = array<i32>} : memref<24x48xf32, #tpu.memory_space<vmem>>, vector<1x16xf32>,
        %get3A_209 = vector.shape_cast %get3A_208 : vector<1x16xf32> to vector<16xf32>
        %mul3A_210 = arith.constant 40 : i32
        %mul3A_211 = arith.muli %scan3A_205, %mul3A_210 : i32
        %broadcast_in_dim3A = arith.constant 0.000000e+00 : f32
        %broadcast_in_dim3A_212 = vector.broadcast %broadcast_in_dim3A : f32 to vector<16xf32>
        %swap3A = arith.index_cast %scan3A_205 : i32 to index
        %swap3A_213 = arith.constant 0 : index
        %swap3A_214 = tpu.vector_load %arg9[%swap3A, %swap3A_213] {strides = array<i32>} : memref<24x480xf32, #tpu.memory_space<vmem>>, vector<1x16xf32>,
        %swap3A_215 = vector.shape_cast %swap3A_214 : vector<1x16xf32> to vector<16xf32>
        %swap3A_216 = vector.shape_cast %broadcast_in_dim3A_212 : vector<16xf32> to vector<1x16xf32>
        tpu.vector_store %arg9[%swap3A, %swap3A_213], %swap3A_216 {strides = array<i32>} : memref<24x480xf32, #tpu.memory_space<vmem>>, vector<1x16xf32>,
        %swap3A_217 = arith.index_cast %scan3A_205 : i32 to index
        %swap3A_218 = arith.constant 16 : index
        %swap3A_219 = tpu.vector_load %arg9[%swap3A_217, %swap3A_218] {strides = array<i32>} : memref<24x480xf32, #tpu.memory_space<vmem>>, vector<1x16xf32>,
        %swap3A_220 = vector.shape_cast %swap3A_219 : vector<1x16xf32> to vector<16xf32>
        %swap3A_221 = vector.shape_cast %broadcast_in_dim3A_212 : vector<16xf32> to vector<1x16xf32>
        tpu.vector_store %arg9[%swap3A_217, %swap3A_218], %swap3A_221 {strides = array<i32>} : memref<24x480xf32, #tpu.memory_space<vmem>>, vector<1x16xf32>,
        %swap3A_222 = arith.index_cast %scan3A_205 : i32 to index
        %swap3A_223 = arith.constant 32 : index
        %swap3A_224 = tpu.vector_load %arg9[%swap3A_222, %swap3A_223] {strides = array<i32>} : memref<24x480xf32, #tpu.memory_space<vmem>>, vector<1x16xf32>,
        %swap3A_225 = vector.shape_cast %swap3A_224 : vector<1x16xf32> to vector<16xf32>
        %swap3A_226 = vector.shape_cast %broadcast_in_dim3A_212 : vector<16xf32> to vector<1x16xf32>
        tpu.vector_store %arg9[%swap3A_222, %swap3A_223], %swap3A_226 {strides = array<i32>} : memref<24x480xf32, #tpu.memory_space<vmem>>, vector<1x16xf32>,
        %swap3A_227 = arith.index_cast %scan3A_205 : i32 to index
        %swap3A_228 = arith.constant 48 : index
        %swap3A_229 = tpu.vector_load %arg9[%swap3A_227, %swap3A_228] {strides = array<i32>} : memref<24x480xf32, #tpu.memory_space<vmem>>, vector<1x16xf32>,
        %swap3A_230 = vector.shape_cast %swap3A_229 : vector<1x16xf32> to vector<16xf32>
        %swap3A_231 = vector.shape_cast %broadcast_in_dim3A_212 : vector<16xf32> to vector<1x16xf32>
        tpu.vector_store %arg9[%swap3A_227, %swap3A_228], %swap3A_231 {strides = array<i32>} : memref<24x480xf32, #tpu.memory_space<vmem>>, vector<1x16xf32>,
        %swap3A_232 = arith.index_cast %scan3A_205 : i32 to index
        %swap3A_233 = arith.constant 64 : index
        %swap3A_234 = tpu.vector_load %arg9[%swap3A_232, %swap3A_233] {strides = array<i32>} : memref<24x480xf32, #tpu.memory_space<vmem>>, vector<1x16xf32>,
        %swap3A_235 = vector.shape_cast %swap3A_234 : vector<1x16xf32> to vector<16xf32>
        %swap3A_236 = vector.shape_cast %broadcast_in_dim3A_212 : vector<16xf32> to vector<1x16xf32>
        tpu.vector_store %arg9[%swap3A_232, %swap3A_233], %swap3A_236 {strides = array<i32>} : memref<24x480xf32, #tpu.memory_space<vmem>>, vector<1x16xf32>,
        %swap3A_237 = arith.index_cast %scan3A_205 : i32 to index
        %swap3A_238 = arith.constant 80 : index
        %swap3A_239 = tpu.vector_load %arg9[%swap3A_237, %swap3A_238] {strides = array<i32>} : memref<24x480xf32, #tpu.memory_space<vmem>>, vector<1x16xf32>,
        %swap3A_240 = vector.shape_cast %swap3A_239 : vector<1x16xf32> to vector<16xf32>
        %swap3A_241 = vector.shape_cast %broadcast_in_dim3A_212 : vector<16xf32> to vector<1x16xf32>
        tpu.vector_store %arg9[%swap3A_237, %swap3A_238], %swap3A_241 {strides = array<i32>} : memref<24x480xf32, #tpu.memory_space<vmem>>, vector<1x16xf32>,
        %swap3A_242 = arith.index_cast %scan3A_205 : i32 to index
        %swap3A_243 = arith.constant 96 : index
        %swap3A_244 = tpu.vector_load %arg9[%swap3A_242, %swap3A_243] {strides = array<i32>} : memref<24x480xf32, #tpu.memory_space<vmem>>, vector<1x16xf32>,
        %swap3A_245 = vector.shape_cast %swap3A_244 : vector<1x16xf32> to vector<16xf32>
        %swap3A_246 = vector.shape_cast %broadcast_in_dim3A_212 : vector<16xf32> to vector<1x16xf32>
        tpu.vector_store %arg9[%swap3A_242, %swap3A_243], %swap3A_246 {strides = array<i32>} : memref<24x480xf32, #tpu.memory_space<vmem>>, vector<1x16xf32>,
        %swap3A_247 = arith.index_cast %scan3A_205 : i32 to index
        %swap3A_248 = arith.constant 112 : index
        %swap3A_249 = tpu.vector_load %arg9[%swap3A_247, %swap3A_248] {strides = array<i32>} : memref<24x480xf32, #tpu.memory_space<vmem>>, vector<1x16xf32>,
        %swap3A_250 = vector.shape_cast %swap3A_249 : vector<1x16xf32> to vector<16xf32>
        %swap3A_251 = vector.shape_cast %broadcast_in_dim3A_212 : vector<16xf32> to vector<1x16xf32>
        tpu.vector_store %arg9[%swap3A_247, %swap3A_248], %swap3A_251 {strides = array<i32>} : memref<24x480xf32, #tpu.memory_space<vmem>>, vector<1x16xf32>,
        %swap3A_252 = arith.index_cast %scan3A_205 : i32 to index
        %swap3A_253 = arith.constant 128 : index
        %swap3A_254 = tpu.vector_load %arg9[%swap3A_252, %swap3A_253] {strides = array<i32>} : memref<24x480xf32, #tpu.memory_space<vmem>>, vector<1x16xf32>,
        %swap3A_255 = vector.shape_cast %swap3A_254 : vector<1x16xf32> to vector<16xf32>
        %swap3A_256 = vector.shape_cast %broadcast_in_dim3A_212 : vector<16xf32> to vector<1x16xf32>
        tpu.vector_store %arg9[%swap3A_252, %swap3A_253], %swap3A_256 {strides = array<i32>} : memref<24x480xf32, #tpu.memory_space<vmem>>, vector<1x16xf32>,
        %swap3A_257 = arith.index_cast %scan3A_205 : i32 to index
        %swap3A_258 = arith.constant 144 : index
        %swap3A_259 = tpu.vector_load %arg9[%swap3A_257, %swap3A_258] {strides = array<i32>} : memref<24x480xf32, #tpu.memory_space<vmem>>, vector<1x16xf32>,
        %swap3A_260 = vector.shape_cast %swap3A_259 : vector<1x16xf32> to vector<16xf32>
        %swap3A_261 = vector.shape_cast %broadcast_in_dim3A_212 : vector<16xf32> to vector<1x16xf32>
        tpu.vector_store %arg9[%swap3A_257, %swap3A_258], %swap3A_261 {strides = array<i32>} : memref<24x480xf32, #tpu.memory_space<vmem>>, vector<1x16xf32>,
        %swap3A_262 = arith.index_cast %scan3A_205 : i32 to index
        %swap3A_263 = arith.constant 160 : index
        %swap3A_264 = tpu.vector_load %arg9[%swap3A_262, %swap3A_263] {strides = array<i32>} : memref<24x480xf32, #tpu.memory_space<vmem>>, vector<1x16xf32>,
        %swap3A_265 = vector.shape_cast %swap3A_264 : vector<1x16xf32> to vector<16xf32>
        %swap3A_266 = vector.shape_cast %broadcast_in_dim3A_212 : vector<16xf32> to vector<1x16xf32>
        tpu.vector_store %arg9[%swap3A_262, %swap3A_263], %swap3A_266 {strides = array<i32>} : memref<24x480xf32, #tpu.memory_space<vmem>>, vector<1x16xf32>,
        %swap3A_267 = arith.index_cast %scan3A_205 : i32 to index
        %swap3A_268 = arith.constant 176 : index
        %swap3A_269 = tpu.vector_load %arg9[%swap3A_267, %swap3A_268] {strides = array<i32>} : memref<24x480xf32, #tpu.memory_space<vmem>>, vector<1x16xf32>,
        %swap3A_270 = vector.shape_cast %swap3A_269 : vector<1x16xf32> to vector<16xf32>
        %swap3A_271 = vector.shape_cast %broadcast_in_dim3A_212 : vector<16xf32> to vector<1x16xf32>
        tpu.vector_store %arg9[%swap3A_267, %swap3A_268], %swap3A_271 {strides = array<i32>} : memref<24x480xf32, #tpu.memory_space<vmem>>, vector<1x16xf32>,
        %swap3A_272 = arith.index_cast %scan3A_205 : i32 to index
        %swap3A_273 = arith.constant 192 : index
        %swap3A_274 = tpu.vector_load %arg9[%swap3A_272, %swap3A_273] {strides = array<i32>} : memref<24x480xf32, #tpu.memory_space<vmem>>, vector<1x16xf32>,
        %swap3A_275 = vector.shape_cast %swap3A_274 : vector<1x16xf32> to vector<16xf32>
        %swap3A_276 = vector.shape_cast %broadcast_in_dim3A_212 : vector<16xf32> to vector<1x16xf32>
        tpu.vector_store %arg9[%swap3A_272, %swap3A_273], %swap3A_276 {strides = array<i32>} : memref<24x480xf32, #tpu.memory_space<vmem>>, vector<1x16xf32>,
        %swap3A_277 = arith.index_cast %scan3A_205 : i32 to index
        %swap3A_278 = arith.constant 208 : index
        %swap3A_279 = tpu.vector_load %arg9[%swap3A_277, %swap3A_278] {strides = array<i32>} : memref<24x480xf32, #tpu.memory_space<vmem>>, vector<1x16xf32>,
        %swap3A_280 = vector.shape_cast %swap3A_279 : vector<1x16xf32> to vector<16xf32>
        %swap3A_281 = vector.shape_cast %broadcast_in_dim3A_212 : vector<16xf32> to vector<1x16xf32>
        tpu.vector_store %arg9[%swap3A_277, %swap3A_278], %swap3A_281 {strides = array<i32>} : memref<24x480xf32, #tpu.memory_space<vmem>>, vector<1x16xf32>,
        %swap3A_282 = arith.index_cast %scan3A_205 : i32 to index
        %swap3A_283 = arith.constant 224 : index
        %swap3A_284 = tpu.vector_load %arg9[%swap3A_282, %swap3A_283] {strides = array<i32>} : memref<24x480xf32, #tpu.memory_space<vmem>>, vector<1x16xf32>,
        %swap3A_285 = vector.shape_cast %swap3A_284 : vector<1x16xf32> to vector<16xf32>
        %swap3A_286 = vector.shape_cast %broadcast_in_dim3A_212 : vector<16xf32> to vector<1x16xf32>
        tpu.vector_store %arg9[%swap3A_282, %swap3A_283], %swap3A_286 {strides = array<i32>} : memref<24x480xf32, #tpu.memory_space<vmem>>, vector<1x16xf32>,
        %swap3A_287 = arith.index_cast %scan3A_205 : i32 to index
        %swap3A_288 = arith.constant 240 : index
        %swap3A_289 = tpu.vector_load %arg9[%swap3A_287, %swap3A_288] {strides = array<i32>} : memref<24x480xf32, #tpu.memory_space<vmem>>, vector<1x16xf32>,
        %swap3A_290 = vector.shape_cast %swap3A_289 : vector<1x16xf32> to vector<16xf32>
        %swap3A_291 = vector.shape_cast %broadcast_in_dim3A_212 : vector<16xf32> to vector<1x16xf32>
        tpu.vector_store %arg9[%swap3A_287, %swap3A_288], %swap3A_291 {strides = array<i32>} : memref<24x480xf32, #tpu.memory_space<vmem>>, vector<1x16xf32>,
        %swap3A_292 = arith.index_cast %scan3A_205 : i32 to index
        %swap3A_293 = arith.constant 256 : index
        %swap3A_294 = tpu.vector_load %arg9[%swap3A_292, %swap3A_293] {strides = array<i32>} : memref<24x480xf32, #tpu.memory_space<vmem>>, vector<1x16xf32>,
        %swap3A_295 = vector.shape_cast %swap3A_294 : vector<1x16xf32> to vector<16xf32>
        %swap3A_296 = vector.shape_cast %broadcast_in_dim3A_212 : vector<16xf32> to vector<1x16xf32>
        tpu.vector_store %arg9[%swap3A_292, %swap3A_293], %swap3A_296 {strides = array<i32>} : memref<24x480xf32, #tpu.memory_space<vmem>>, vector<1x16xf32>,
        %swap3A_297 = arith.index_cast %scan3A_205 : i32 to index
        %swap3A_298 = arith.constant 272 : index
        %swap3A_299 = tpu.vector_load %arg9[%swap3A_297, %swap3A_298] {strides = array<i32>} : memref<24x480xf32, #tpu.memory_space<vmem>>, vector<1x16xf32>,
        %swap3A_300 = vector.shape_cast %swap3A_299 : vector<1x16xf32> to vector<16xf32>
        %swap3A_301 = vector.shape_cast %broadcast_in_dim3A_212 : vector<16xf32> to vector<1x16xf32>
        tpu.vector_store %arg9[%swap3A_297, %swap3A_298], %swap3A_301 {strides = array<i32>} : memref<24x480xf32, #tpu.memory_space<vmem>>, vector<1x16xf32>,
        %swap3A_302 = arith.index_cast %scan3A_205 : i32 to index
        %swap3A_303 = arith.constant 288 : index
        %swap3A_304 = tpu.vector_load %arg9[%swap3A_302, %swap3A_303] {strides = array<i32>} : memref<24x480xf32, #tpu.memory_space<vmem>>, vector<1x16xf32>,
        %swap3A_305 = vector.shape_cast %swap3A_304 : vector<1x16xf32> to vector<16xf32>
        %swap3A_306 = vector.shape_cast %broadcast_in_dim3A_212 : vector<16xf32> to vector<1x16xf32>
        tpu.vector_store %arg9[%swap3A_302, %swap3A_303], %swap3A_306 {strides = array<i32>} : memref<24x480xf32, #tpu.memory_space<vmem>>, vector<1x16xf32>,
        %swap3A_307 = arith.index_cast %scan3A_205 : i32 to index
        %swap3A_308 = arith.constant 304 : index
        %swap3A_309 = tpu.vector_load %arg9[%swap3A_307, %swap3A_308] {strides = array<i32>} : memref<24x480xf32, #tpu.memory_space<vmem>>, vector<1x16xf32>,
        %swap3A_310 = vector.shape_cast %swap3A_309 : vector<1x16xf32> to vector<16xf32>
        %swap3A_311 = vector.shape_cast %broadcast_in_dim3A_212 : vector<16xf32> to vector<1x16xf32>
        tpu.vector_store %arg9[%swap3A_307, %swap3A_308], %swap3A_311 {strides = array<i32>} : memref<24x480xf32, #tpu.memory_space<vmem>>, vector<1x16xf32>,
        %swap3A_312 = arith.index_cast %scan3A_205 : i32 to index
        %swap3A_313 = arith.constant 320 : index
        %swap3A_314 = tpu.vector_load %arg9[%swap3A_312, %swap3A_313] {strides = array<i32>} : memref<24x480xf32, #tpu.memory_space<vmem>>, vector<1x16xf32>,
        %swap3A_315 = vector.shape_cast %swap3A_314 : vector<1x16xf32> to vector<16xf32>
        %swap3A_316 = vector.shape_cast %broadcast_in_dim3A_212 : vector<16xf32> to vector<1x16xf32>
        tpu.vector_store %arg9[%swap3A_312, %swap3A_313], %swap3A_316 {strides = array<i32>} : memref<24x480xf32, #tpu.memory_space<vmem>>, vector<1x16xf32>,
        %swap3A_317 = arith.index_cast %scan3A_205 : i32 to index
        %swap3A_318 = arith.constant 336 : index
        %swap3A_319 = tpu.vector_load %arg9[%swap3A_317, %swap3A_318] {strides = array<i32>} : memref<24x480xf32, #tpu.memory_space<vmem>>, vector<1x16xf32>,
        %swap3A_320 = vector.shape_cast %swap3A_319 : vector<1x16xf32> to vector<16xf32>
        %swap3A_321 = vector.shape_cast %broadcast_in_dim3A_212 : vector<16xf32> to vector<1x16xf32>
        tpu.vector_store %arg9[%swap3A_317, %swap3A_318], %swap3A_321 {strides = array<i32>} : memref<24x480xf32, #tpu.memory_space<vmem>>, vector<1x16xf32>,
        %swap3A_322 = arith.index_cast %scan3A_205 : i32 to index
        %swap3A_323 = arith.constant 352 : index
        %swap3A_324 = tpu.vector_load %arg9[%swap3A_322, %swap3A_323] {strides = array<i32>} : memref<24x480xf32, #tpu.memory_space<vmem>>, vector<1x16xf32>,
        %swap3A_325 = vector.shape_cast %swap3A_324 : vector<1x16xf32> to vector<16xf32>
        %swap3A_326 = vector.shape_cast %broadcast_in_dim3A_212 : vector<16xf32> to vector<1x16xf32>
        tpu.vector_store %arg9[%swap3A_322, %swap3A_323], %swap3A_326 {strides = array<i32>} : memref<24x480xf32, #tpu.memory_space<vmem>>, vector<1x16xf32>,
        %swap3A_327 = arith.index_cast %scan3A_205 : i32 to index
        %swap3A_328 = arith.constant 368 : index
        %swap3A_329 = tpu.vector_load %arg9[%swap3A_327, %swap3A_328] {strides = array<i32>} : memref<24x480xf32, #tpu.memory_space<vmem>>, vector<1x16xf32>,
        %swap3A_330 = vector.shape_cast %swap3A_329 : vector<1x16xf32> to vector<16xf32>
        %swap3A_331 = vector.shape_cast %broadcast_in_dim3A_212 : vector<16xf32> to vector<1x16xf32>
        tpu.vector_store %arg9[%swap3A_327, %swap3A_328], %swap3A_331 {strides = array<i32>} : memref<24x480xf32, #tpu.memory_space<vmem>>, vector<1x16xf32>,
        %swap3A_332 = arith.index_cast %scan3A_205 : i32 to index
        %swap3A_333 = arith.constant 384 : index
        %swap3A_334 = tpu.vector_load %arg9[%swap3A_332, %swap3A_333] {strides = array<i32>} : memref<24x480xf32, #tpu.memory_space<vmem>>, vector<1x16xf32>,
        %swap3A_335 = vector.shape_cast %swap3A_334 : vector<1x16xf32> to vector<16xf32>
        %swap3A_336 = vector.shape_cast %broadcast_in_dim3A_212 : vector<16xf32> to vector<1x16xf32>
        tpu.vector_store %arg9[%swap3A_332, %swap3A_333], %swap3A_336 {strides = array<i32>} : memref<24x480xf32, #tpu.memory_space<vmem>>, vector<1x16xf32>,
        %swap3A_337 = arith.index_cast %scan3A_205 : i32 to index
        %swap3A_338 = arith.constant 400 : index
        %swap3A_339 = tpu.vector_load %arg9[%swap3A_337, %swap3A_338] {strides = array<i32>} : memref<24x480xf32, #tpu.memory_space<vmem>>, vector<1x16xf32>,
        %swap3A_340 = vector.shape_cast %swap3A_339 : vector<1x16xf32> to vector<16xf32>
        %swap3A_341 = vector.shape_cast %broadcast_in_dim3A_212 : vector<16xf32> to vector<1x16xf32>
        tpu.vector_store %arg9[%swap3A_337, %swap3A_338], %swap3A_341 {strides = array<i32>} : memref<24x480xf32, #tpu.memory_space<vmem>>, vector<1x16xf32>,
        %swap3A_342 = arith.index_cast %scan3A_205 : i32 to index
        %swap3A_343 = arith.constant 416 : index
        %swap3A_344 = tpu.vector_load %arg9[%swap3A_342, %swap3A_343] {strides = array<i32>} : memref<24x480xf32, #tpu.memory_space<vmem>>, vector<1x16xf32>,
        %swap3A_345 = vector.shape_cast %swap3A_344 : vector<1x16xf32> to vector<16xf32>
        %swap3A_346 = vector.shape_cast %broadcast_in_dim3A_212 : vector<16xf32> to vector<1x16xf32>
        tpu.vector_store %arg9[%swap3A_342, %swap3A_343], %swap3A_346 {strides = array<i32>} : memref<24x480xf32, #tpu.memory_space<vmem>>, vector<1x16xf32>,
        %swap3A_347 = arith.index_cast %scan3A_205 : i32 to index
        %swap3A_348 = arith.constant 432 : index
        %swap3A_349 = tpu.vector_load %arg9[%swap3A_347, %swap3A_348] {strides = array<i32>} : memref<24x480xf32, #tpu.memory_space<vmem>>, vector<1x16xf32>,
        %swap3A_350 = vector.shape_cast %swap3A_349 : vector<1x16xf32> to vector<16xf32>
        %swap3A_351 = vector.shape_cast %broadcast_in_dim3A_212 : vector<16xf32> to vector<1x16xf32>
        tpu.vector_store %arg9[%swap3A_347, %swap3A_348], %swap3A_351 {strides = array<i32>} : memref<24x480xf32, #tpu.memory_space<vmem>>, vector<1x16xf32>,
        %swap3A_352 = arith.index_cast %scan3A_205 : i32 to index
        %swap3A_353 = arith.constant 448 : index
        %swap3A_354 = tpu.vector_load %arg9[%swap3A_352, %swap3A_353] {strides = array<i32>} : memref<24x480xf32, #tpu.memory_space<vmem>>, vector<1x16xf32>,
        %swap3A_355 = vector.shape_cast %swap3A_354 : vector<1x16xf32> to vector<16xf32>
        %swap3A_356 = vector.shape_cast %broadcast_in_dim3A_212 : vector<16xf32> to vector<1x16xf32>
        tpu.vector_store %arg9[%swap3A_352, %swap3A_353], %swap3A_356 {strides = array<i32>} : memref<24x480xf32, #tpu.memory_space<vmem>>, vector<1x16xf32>,
        %swap3A_357 = arith.index_cast %scan3A_205 : i32 to index
        %swap3A_358 = arith.constant 464 : index
        %swap3A_359 = tpu.vector_load %arg9[%swap3A_357, %swap3A_358] {strides = array<i32>} : memref<24x480xf32, #tpu.memory_space<vmem>>, vector<1x16xf32>,
        %swap3A_360 = vector.shape_cast %swap3A_359 : vector<1x16xf32> to vector<16xf32>
        %swap3A_361 = vector.shape_cast %broadcast_in_dim3A_212 : vector<16xf32> to vector<1x16xf32>
        tpu.vector_store %arg9[%swap3A_357, %swap3A_358], %swap3A_361 {strides = array<i32>} : memref<24x480xf32, #tpu.memory_space<vmem>>, vector<1x16xf32>,
        %scan3A_362 = arith.constant 0 : i32
        %scan3A_363 = arith.constant 0 : i32
        %scan3A_364 = arith.constant 34 : i32
        %scan3A_365 = arith.addi %scan3A_363, %scan3A_364 : i32
        %scan3A_366 = arith.constant 1 : i32
        scf.for %scan3A_368 = %scan3A_363 to %scan3A_365 step %scan3A_366  : i32 {
          %add3A_369 = arith.addi %mul3A_211, %scan3A_368 : i32
          %get3A_370 = arith.index_cast %add3A_369 : i32 to index
          %get3A_371 = arith.constant 32 : index
          %get3A_372 = tpu.vector_load %arg7[%get3A_370, %get3A_371] {strides = array<i32>} : memref<960x48xf32, #tpu.memory_space<vmem>>, vector<1x16xf32>,
          %get3A_373 = vector.shape_cast %get3A_372 : vector<1x16xf32> to vector<16xf32>
          %sub3A = arith.subf %get3A_373, %get3A_209 : vector<16xf32>
          %slice3A_374 = vector.extract_strided_slice %sub3A {offsets = [0], sizes = [1], strides = [1]} : vector<16xf32> to vector<1xf32>
          %squeeze3A_375 = vector.extract %slice3A_374[0] : f32 from vector<1xf32>
          %slice3A_376 = vector.extract_strided_slice %sub3A {offsets = [1], sizes = [1], strides = [1]} : vector<16xf32> to vector<1xf32>
          %squeeze3A_377 = vector.extract %slice3A_376[0] : f32 from vector<1xf32>
          %slice3A_378 = vector.extract_strided_slice %sub3A {offsets = [2], sizes = [1], strides = [1]} : vector<16xf32> to vector<1xf32>
          %squeeze3A_379 = vector.extract %slice3A_378[0] : f32 from vector<1xf32>
          %mul3A_380 = arith.mulf %squeeze3A_375, %squeeze3A_375 : f32
          %mul3A_381 = arith.mulf %squeeze3A_377, %squeeze3A_377 : f32
          %add3A_382 = arith.addf %mul3A_380, %mul3A_381 : f32
          %mul3A_383 = arith.mulf %squeeze3A_379, %squeeze3A_379 : f32
          %add3A_384 = arith.addf %add3A_382, %mul3A_383 : f32
          %le3A = arith.cmpf ole, %add3A_384, %squeeze3A : f32
          %convert_element_type3A = arith.extui %le3A : i1 to i32
          %cond3A = arith.constant 0 : i32
          %cond3A_385 = arith.cmpi ne, %convert_element_type3A, %cond3A : i32
          scf.if %cond3A_385 {
            %get3A_386 = arith.index_cast %add3A_369 : i32 to index
            %get3A_387 = arith.constant 0 : index
            %get3A_388 = tpu.vector_load %arg7[%get3A_386, %get3A_387] {strides = array<i32>} : memref<960x48xf32, #tpu.memory_space<vmem>>, vector<1x16xf32>,
            %get3A_389 = vector.shape_cast %get3A_388 : vector<1x16xf32> to vector<16xf32>
            %get3A_390 = arith.index_cast %add3A_369 : i32 to index
            %get3A_391 = arith.constant 16 : index
            %get3A_392 = tpu.vector_load %arg7[%get3A_390, %get3A_391] {strides = array<i32>} : memref<960x48xf32, #tpu.memory_space<vmem>>, vector<1x16xf32>,
            %get3A_393 = vector.shape_cast %get3A_392 : vector<1x16xf32> to vector<16xf32>
            %bitcast_convert_type3A = tpu.bitcast %sub3A : vector<16xf32> -> vector<16xi32>
            %add3A_394 = arith.constant 32767 : i32
            %add3A_395 = vector.broadcast %add3A_394 : i32 to vector<16xi32>
            %add3A_396 = arith.addi %bitcast_convert_type3A, %add3A_395 : vector<16xi32>
            %shift_right_arithmetic3A = arith.constant 16 : i32
            %shift_right_arithmetic3A_397 = vector.broadcast %shift_right_arithmetic3A : i32 to vector<16xi32>
            %shift_right_arithmetic3A_398 = arith.shrsi %bitcast_convert_type3A, %shift_right_arithmetic3A_397 : vector<16xi32>
            %and3A = arith.constant 1 : i32
            %and3A_399 = vector.broadcast %and3A : i32 to vector<16xi32>
            %and3A_400 = arith.andi %shift_right_arithmetic3A_398, %and3A_399 : vector<16xi32>
            %add3A_401 = arith.addi %add3A_396, %and3A_400 : vector<16xi32>
            %and3A_402 = arith.constant -65536 : i32
            %and3A_403 = vector.broadcast %and3A_402 : i32 to vector<16xi32>
            %and3A_404 = arith.andi %add3A_401, %and3A_403 : vector<16xi32>
            %bitcast_convert_type3A_405 = tpu.bitcast %and3A_404 : vector<16xi32> -> vector<16xf32>
            %add3A_406 = vector.broadcast %add3A_384 : f32 to vector<16xf32>
            %add3A_407 = arith.addf %add3A_406, %get3A_19 : vector<16xf32>
            %slice3A_408 = vector.extract_strided_slice %bitcast_convert_type3A_405 {offsets = [0], sizes = [1], strides = [1]} : vector<16xf32> to vector<1xf32>
            %squeeze3A_409 = vector.extract %slice3A_408[0] : f32 from vector<1xf32>
            %mul3A_410 = vector.broadcast %squeeze3A_409 : f32 to vector<16xf32>
            %mul3A_411 = arith.mulf %mul3A_410, %get3A_4 : vector<16xf32>
            %slice3A_412 = vector.extract_strided_slice %bitcast_convert_type3A_405 {offsets = [1], sizes = [1], strides = [1]} : vector<16xf32> to vector<1xf32>
            %squeeze3A_413 = vector.extract %slice3A_412[0] : f32 from vector<1xf32>
            %mul3A_414 = vector.broadcast %squeeze3A_413 : f32 to vector<16xf32>
            %mul3A_415 = arith.mulf %mul3A_414, %get3A_9 : vector<16xf32>
            %add3A_416 = arith.addf %mul3A_411, %mul3A_415 : vector<16xf32>
            %slice3A_417 = vector.extract_strided_slice %bitcast_convert_type3A_405 {offsets = [2], sizes = [1], strides = [1]} : vector<16xf32> to vector<1xf32>
            %squeeze3A_418 = vector.extract %slice3A_417[0] : f32 from vector<1xf32>
            %mul3A_419 = vector.broadcast %squeeze3A_418 : f32 to vector<16xf32>
            %mul3A_420 = arith.mulf %mul3A_419, %get3A_14 : vector<16xf32>
            %add3A_421 = arith.addf %add3A_416, %mul3A_420 : vector<16xf32>
            %mul3A_422 = arith.constant 2.000000e+00 : f32
            %mul3A_423 = vector.broadcast %mul3A_422 : f32 to vector<16xf32>
            %mul3A_424 = arith.mulf %mul3A_423, %add3A_421 : vector<16xf32>
            %sub3A_425 = arith.subf %add3A_407, %mul3A_424 : vector<16xf32>
            %max3A = arith.constant 0.000000e+00 : f32
            %max3A_426 = vector.broadcast %max3A : f32 to vector<16xf32>
            %max3A_427 = arith.maximumf %sub3A_425, %max3A_426 : vector<16xf32>
            %bitcast_convert_type3A_428 = tpu.bitcast %max3A_427 : vector<16xf32> -> vector<16xi32>
            %shift_right_arithmetic3A_429 = arith.constant 1 : i32
            %shift_right_arithmetic3A_430 = vector.broadcast %shift_right_arithmetic3A_429 : i32 to vector<16xi32>
            %shift_right_arithmetic3A_431 = arith.shrsi %bitcast_convert_type3A_428, %shift_right_arithmetic3A_430 : vector<16xi32>
            %sub3A_432 = arith.constant 1597463007 : i32
            %sub3A_433 = vector.broadcast %sub3A_432 : i32 to vector<16xi32>
            %sub3A_434 = arith.subi %sub3A_433, %shift_right_arithmetic3A_431 : vector<16xi32>
            %bitcast_convert_type3A_435 = tpu.bitcast %sub3A_434 : vector<16xi32> -> vector<16xf32>
            %mul3A_436 = arith.constant 5.000000e-01 : f32
            %mul3A_437 = vector.broadcast %mul3A_436 : f32 to vector<16xf32>
            %mul3A_438 = arith.mulf %mul3A_437, %max3A_427 : vector<16xf32>
            %mul3A_439 = arith.mulf %mul3A_438, %bitcast_convert_type3A_435 : vector<16xf32>
            %mul3A_440 = arith.mulf %mul3A_439, %bitcast_convert_type3A_435 : vector<16xf32>
            %sub3A_441 = arith.constant 1.500000e+00 : f32
            %sub3A_442 = vector.broadcast %sub3A_441 : f32 to vector<16xf32>
            %sub3A_443 = arith.subf %sub3A_442, %mul3A_440 : vector<16xf32>
            %mul3A_444 = arith.mulf %bitcast_convert_type3A_435, %sub3A_443 : vector<16xf32>
            %mul3A_445 = arith.constant 5.000000e-01 : f32
            %mul3A_446 = vector.broadcast %mul3A_445 : f32 to vector<16xf32>
            %mul3A_447 = arith.mulf %mul3A_446, %max3A_427 : vector<16xf32>
            %mul3A_448 = arith.mulf %mul3A_447, %mul3A_444 : vector<16xf32>
            %mul3A_449 = arith.mulf %mul3A_448, %mul3A_444 : vector<16xf32>
            %sub3A_450 = arith.constant 1.500000e+00 : f32
            %sub3A_451 = vector.broadcast %sub3A_450 : f32 to vector<16xf32>
            %sub3A_452 = arith.subf %sub3A_451, %mul3A_449 : vector<16xf32>
            %mul3A_453 = arith.mulf %mul3A_444, %sub3A_452 : vector<16xf32>
            %mul3A_454 = arith.constant 5.000000e-01 : f32
            %mul3A_455 = vector.broadcast %mul3A_454 : f32 to vector<16xf32>
            %mul3A_456 = arith.mulf %mul3A_455, %max3A_427 : vector<16xf32>
            %mul3A_457 = arith.mulf %mul3A_456, %mul3A_453 : vector<16xf32>
            %mul3A_458 = arith.mulf %mul3A_457, %mul3A_453 : vector<16xf32>
            %sub3A_459 = arith.constant 1.500000e+00 : f32
            %sub3A_460 = vector.broadcast %sub3A_459 : f32 to vector<16xf32>
            %sub3A_461 = arith.subf %sub3A_460, %mul3A_458 : vector<16xf32>
            %mul3A_462 = arith.mulf %mul3A_453, %sub3A_461 : vector<16xf32>
            %mul3A_463 = arith.mulf %max3A_427, %mul3A_462 : vector<16xf32>
            %mul3A_464 = arith.constant 2.000000e+01 : f32
            %mul3A_465 = vector.broadcast %mul3A_464 : f32 to vector<16xf32>
            %mul3A_466 = arith.mulf %mul3A_463, %mul3A_465 : vector<16xf32>
            %sub3A_467 = arith.constant 1.000000e+00 : f32
            %sub3A_468 = vector.broadcast %sub3A_467 : f32 to vector<16xf32>
            %sub3A_469 = arith.subf %sub3A_468, %mul3A_466 : vector<16xf32>
            %max3A_470 = arith.constant 0.000000e+00 : f32
            %max3A_471 = vector.broadcast %max3A_470 : f32 to vector<16xf32>
            %max3A_472 = arith.maximumf %max3A_471, %sub3A_469 : vector<16xf32>
            %bitcast_convert_type3A_473 = tpu.bitcast %max3A_472 : vector<16xf32> -> vector<16xi32>
            %add3A_474 = arith.constant 32767 : i32
            %add3A_475 = vector.broadcast %add3A_474 : i32 to vector<16xi32>
            %add3A_476 = arith.addi %bitcast_convert_type3A_473, %add3A_475 : vector<16xi32>
            %shift_right_arithmetic3A_477 = arith.constant 16 : i32
            %shift_right_arithmetic3A_478 = vector.broadcast %shift_right_arithmetic3A_477 : i32 to vector<16xi32>
            %shift_right_arithmetic3A_479 = arith.shrsi %bitcast_convert_type3A_473, %shift_right_arithmetic3A_478 : vector<16xi32>
            %and3A_480 = arith.constant 1 : i32
            %and3A_481 = vector.broadcast %and3A_480 : i32 to vector<16xi32>
            %and3A_482 = arith.andi %shift_right_arithmetic3A_479, %and3A_481 : vector<16xi32>
            %add3A_483 = arith.addi %add3A_476, %and3A_482 : vector<16xi32>
            %and3A_484 = arith.constant -65536 : i32
            %and3A_485 = vector.broadcast %and3A_484 : i32 to vector<16xi32>
            %and3A_486 = arith.andi %add3A_483, %and3A_485 : vector<16xi32>
            %bitcast_convert_type3A_487 = tpu.bitcast %and3A_486 : vector<16xi32> -> vector<16xf32>
            %slice3A_488 = vector.extract_strided_slice %bitcast_convert_type3A_487 {offsets = [0], sizes = [1], strides = [1]} : vector<16xf32> to vector<1xf32>
            %squeeze3A_489 = vector.extract %slice3A_488[0] : f32 from vector<1xf32>
            %mul3A_490 = vector.broadcast %squeeze3A_489 : f32 to vector<16xf32>
            %mul3A_491 = arith.mulf %mul3A_490, %get3A_389 : vector<16xf32>
            %swap3A_492 = arith.index_cast %scan3A_205 : i32 to index
            %swap3A_493 = arith.constant 0 : index
            %swap3A_494 = tpu.vector_load %arg9[%swap3A_492, %swap3A_493] {strides = array<i32>} : memref<24x480xf32, #tpu.memory_space<vmem>>, vector<1x16xf32>,
            %swap3A_495 = vector.shape_cast %swap3A_494 : vector<1x16xf32> to vector<16xf32>
            %swap3A_496 = vector.shape_cast %mul3A_491 : vector<16xf32> to vector<1x16xf32>
            tpu.vector_store %arg9[%swap3A_492, %swap3A_493], %swap3A_496 {add = true, strides = array<i32>} : memref<24x480xf32, #tpu.memory_space<vmem>>, vector<1x16xf32>,
            %mul3A_497 = vector.broadcast %squeeze3A_489 : f32 to vector<16xf32>
            %mul3A_498 = arith.mulf %mul3A_497, %get3A_393 : vector<16xf32>
            %swap3A_499 = arith.index_cast %scan3A_205 : i32 to index
            %swap3A_500 = arith.constant 16 : index
            %swap3A_501 = tpu.vector_load %arg9[%swap3A_499, %swap3A_500] {strides = array<i32>} : memref<24x480xf32, #tpu.memory_space<vmem>>, vector<1x16xf32>,
            %swap3A_502 = vector.shape_cast %swap3A_501 : vector<1x16xf32> to vector<16xf32>
            %swap3A_503 = vector.shape_cast %mul3A_498 : vector<16xf32> to vector<1x16xf32>
            tpu.vector_store %arg9[%swap3A_499, %swap3A_500], %swap3A_503 {add = true, strides = array<i32>} : memref<24x480xf32, #tpu.memory_space<vmem>>, vector<1x16xf32>,
            %slice3A_504 = vector.extract_strided_slice %bitcast_convert_type3A_487 {offsets = [1], sizes = [1], strides = [1]} : vector<16xf32> to vector<1xf32>
            %squeeze3A_505 = vector.extract %slice3A_504[0] : f32 from vector<1xf32>
            %mul3A_506 = vector.broadcast %squeeze3A_505 : f32 to vector<16xf32>
            %mul3A_507 = arith.mulf %mul3A_506, %get3A_389 : vector<16xf32>
            %swap3A_508 = arith.index_cast %scan3A_205 : i32 to index
            %swap3A_509 = arith.constant 32 : index
            %swap3A_510 = tpu.vector_load %arg9[%swap3A_508, %swap3A_509] {strides = array<i32>} : memref<24x480xf32, #tpu.memory_space<vmem>>, vector<1x16xf32>,
            %swap3A_511 = vector.shape_cast %swap3A_510 : vector<1x16xf32> to vector<16xf32>
            %swap3A_512 = vector.shape_cast %mul3A_507 : vector<16xf32> to vector<1x16xf32>
            tpu.vector_store %arg9[%swap3A_508, %swap3A_509], %swap3A_512 {add = true, strides = array<i32>} : memref<24x480xf32, #tpu.memory_space<vmem>>, vector<1x16xf32>,
            %mul3A_513 = vector.broadcast %squeeze3A_505 : f32 to vector<16xf32>
            %mul3A_514 = arith.mulf %mul3A_513, %get3A_393 : vector<16xf32>
            %swap3A_515 = arith.index_cast %scan3A_205 : i32 to index
            %swap3A_516 = arith.constant 48 : index
            %swap3A_517 = tpu.vector_load %arg9[%swap3A_515, %swap3A_516] {strides = array<i32>} : memref<24x480xf32, #tpu.memory_space<vmem>>, vector<1x16xf32>,
            %swap3A_518 = vector.shape_cast %swap3A_517 : vector<1x16xf32> to vector<16xf32>
            %swap3A_519 = vector.shape_cast %mul3A_514 : vector<16xf32> to vector<1x16xf32>
            tpu.vector_store %arg9[%swap3A_515, %swap3A_516], %swap3A_519 {add = true, strides = array<i32>} : memref<24x480xf32, #tpu.memory_space<vmem>>, vector<1x16xf32>,
            %slice3A_520 = vector.extract_strided_slice %bitcast_convert_type3A_487 {offsets = [2], sizes = [1], strides = [1]} : vector<16xf32> to vector<1xf32>
            %squeeze3A_521 = vector.extract %slice3A_520[0] : f32 from vector<1xf32>
            %mul3A_522 = vector.broadcast %squeeze3A_521 : f32 to vector<16xf32>
            %mul3A_523 = arith.mulf %mul3A_522, %get3A_389 : vector<16xf32>
            %swap3A_524 = arith.index_cast %scan3A_205 : i32 to index
            %swap3A_525 = arith.constant 64 : index
            %swap3A_526 = tpu.vector_load %arg9[%swap3A_524, %swap3A_525] {strides = array<i32>} : memref<24x480xf32, #tpu.memory_space<vmem>>, vector<1x16xf32>,
            %swap3A_527 = vector.shape_cast %swap3A_526 : vector<1x16xf32> to vector<16xf32>
            %swap3A_528 = vector.shape_cast %mul3A_523 : vector<16xf32> to vector<1x16xf32>
            tpu.vector_store %arg9[%swap3A_524, %swap3A_525], %swap3A_528 {add = true, strides = array<i32>} : memref<24x480xf32, #tpu.memory_space<vmem>>, vector<1x16xf32>,
            %mul3A_529 = vector.broadcast %squeeze3A_521 : f32 to vector<16xf32>
            %mul3A_530 = arith.mulf %mul3A_529, %get3A_393 : vector<16xf32>
            %swap3A_531 = arith.index_cast %scan3A_205 : i32 to index
            %swap3A_532 = arith.constant 80 : index
            %swap3A_533 = tpu.vector_load %arg9[%swap3A_531, %swap3A_532] {strides = array<i32>} : memref<24x480xf32, #tpu.memory_space<vmem>>, vector<1x16xf32>,
            %swap3A_534 = vector.shape_cast %swap3A_533 : vector<1x16xf32> to vector<16xf32>
            %swap3A_535 = vector.shape_cast %mul3A_530 : vector<16xf32> to vector<1x16xf32>
            tpu.vector_store %arg9[%swap3A_531, %swap3A_532], %swap3A_535 {add = true, strides = array<i32>} : memref<24x480xf32, #tpu.memory_space<vmem>>, vector<1x16xf32>,
            %slice3A_536 = vector.extract_strided_slice %bitcast_convert_type3A_487 {offsets = [3], sizes = [1], strides = [1]} : vector<16xf32> to vector<1xf32>
            %squeeze3A_537 = vector.extract %slice3A_536[0] : f32 from vector<1xf32>
            %mul3A_538 = vector.broadcast %squeeze3A_537 : f32 to vector<16xf32>
            %mul3A_539 = arith.mulf %mul3A_538, %get3A_389 : vector<16xf32>
            %swap3A_540 = arith.index_cast %scan3A_205 : i32 to index
            %swap3A_541 = arith.constant 96 : index
            %swap3A_542 = tpu.vector_load %arg9[%swap3A_540, %swap3A_541] {strides = array<i32>} : memref<24x480xf32, #tpu.memory_space<vmem>>, vector<1x16xf32>,
            %swap3A_543 = vector.shape_cast %swap3A_542 : vector<1x16xf32> to vector<16xf32>
            %swap3A_544 = vector.shape_cast %mul3A_539 : vector<16xf32> to vector<1x16xf32>
            tpu.vector_store %arg9[%swap3A_540, %swap3A_541], %swap3A_544 {add = true, strides = array<i32>} : memref<24x480xf32, #tpu.memory_space<vmem>>, vector<1x16xf32>,
            %mul3A_545 = vector.broadcast %squeeze3A_537 : f32 to vector<16xf32>
            %mul3A_546 = arith.mulf %mul3A_545, %get3A_393 : vector<16xf32>
            %swap3A_547 = arith.index_cast %scan3A_205 : i32 to index
            %swap3A_548 = arith.constant 112 : index
            %swap3A_549 = tpu.vector_load %arg9[%swap3A_547, %swap3A_548] {strides = array<i32>} : memref<24x480xf32, #tpu.memory_space<vmem>>, vector<1x16xf32>,
            %swap3A_550 = vector.shape_cast %swap3A_549 : vector<1x16xf32> to vector<16xf32>
            %swap3A_551 = vector.shape_cast %mul3A_546 : vector<16xf32> to vector<1x16xf32>
            tpu.vector_store %arg9[%swap3A_547, %swap3A_548], %swap3A_551 {add = true, strides = array<i32>} : memref<24x480xf32, #tpu.memory_space<vmem>>, vector<1x16xf32>,
            %slice3A_552 = vector.extract_strided_slice %bitcast_convert_type3A_487 {offsets = [4], sizes = [1], strides = [1]} : vector<16xf32> to vector<1xf32>
            %squeeze3A_553 = vector.extract %slice3A_552[0] : f32 from vector<1xf32>
            %mul3A_554 = vector.broadcast %squeeze3A_553 : f32 to vector<16xf32>
            %mul3A_555 = arith.mulf %mul3A_554, %get3A_389 : vector<16xf32>
            %swap3A_556 = arith.index_cast %scan3A_205 : i32 to index
            %swap3A_557 = arith.constant 128 : index
            %swap3A_558 = tpu.vector_load %arg9[%swap3A_556, %swap3A_557] {strides = array<i32>} : memref<24x480xf32, #tpu.memory_space<vmem>>, vector<1x16xf32>,
            %swap3A_559 = vector.shape_cast %swap3A_558 : vector<1x16xf32> to vector<16xf32>
            %swap3A_560 = vector.shape_cast %mul3A_555 : vector<16xf32> to vector<1x16xf32>
            tpu.vector_store %arg9[%swap3A_556, %swap3A_557], %swap3A_560 {add = true, strides = array<i32>} : memref<24x480xf32, #tpu.memory_space<vmem>>, vector<1x16xf32>,
            %mul3A_561 = vector.broadcast %squeeze3A_553 : f32 to vector<16xf32>
            %mul3A_562 = arith.mulf %mul3A_561, %get3A_393 : vector<16xf32>
            %swap3A_563 = arith.index_cast %scan3A_205 : i32 to index
            %swap3A_564 = arith.constant 144 : index
            %swap3A_565 = tpu.vector_load %arg9[%swap3A_563, %swap3A_564] {strides = array<i32>} : memref<24x480xf32, #tpu.memory_space<vmem>>, vector<1x16xf32>,
            %swap3A_566 = vector.shape_cast %swap3A_565 : vector<1x16xf32> to vector<16xf32>
            %swap3A_567 = vector.shape_cast %mul3A_562 : vector<16xf32> to vector<1x16xf32>
            tpu.vector_store %arg9[%swap3A_563, %swap3A_564], %swap3A_567 {add = true, strides = array<i32>} : memref<24x480xf32, #tpu.memory_space<vmem>>, vector<1x16xf32>,
            %slice3A_568 = vector.extract_strided_slice %bitcast_convert_type3A_487 {offsets = [5], sizes = [1], strides = [1]} : vector<16xf32> to vector<1xf32>
            %squeeze3A_569 = vector.extract %slice3A_568[0] : f32 from vector<1xf32>
            %mul3A_570 = vector.broadcast %squeeze3A_569 : f32 to vector<16xf32>
            %mul3A_571 = arith.mulf %mul3A_570, %get3A_389 : vector<16xf32>
            %swap3A_572 = arith.index_cast %scan3A_205 : i32 to index
            %swap3A_573 = arith.constant 160 : index
            %swap3A_574 = tpu.vector_load %arg9[%swap3A_572, %swap3A_573] {strides = array<i32>} : memref<24x480xf32, #tpu.memory_space<vmem>>, vector<1x16xf32>,
            %swap3A_575 = vector.shape_cast %swap3A_574 : vector<1x16xf32> to vector<16xf32>
            %swap3A_576 = vector.shape_cast %mul3A_571 : vector<16xf32> to vector<1x16xf32>
            tpu.vector_store %arg9[%swap3A_572, %swap3A_573], %swap3A_576 {add = true, strides = array<i32>} : memref<24x480xf32, #tpu.memory_space<vmem>>, vector<1x16xf32>,
            %mul3A_577 = vector.broadcast %squeeze3A_569 : f32 to vector<16xf32>
            %mul3A_578 = arith.mulf %mul3A_577, %get3A_393 : vector<16xf32>
            %swap3A_579 = arith.index_cast %scan3A_205 : i32 to index
            %swap3A_580 = arith.constant 176 : index
            %swap3A_581 = tpu.vector_load %arg9[%swap3A_579, %swap3A_580] {strides = array<i32>} : memref<24x480xf32, #tpu.memory_space<vmem>>, vector<1x16xf32>,
            %swap3A_582 = vector.shape_cast %swap3A_581 : vector<1x16xf32> to vector<16xf32>
            %swap3A_583 = vector.shape_cast %mul3A_578 : vector<16xf32> to vector<1x16xf32>
            tpu.vector_store %arg9[%swap3A_579, %swap3A_580], %swap3A_583 {add = true, strides = array<i32>} : memref<24x480xf32, #tpu.memory_space<vmem>>, vector<1x16xf32>,
            %slice3A_584 = vector.extract_strided_slice %bitcast_convert_type3A_487 {offsets = [6], sizes = [1], strides = [1]} : vector<16xf32> to vector<1xf32>
            %squeeze3A_585 = vector.extract %slice3A_584[0] : f32 from vector<1xf32>
            %mul3A_586 = vector.broadcast %squeeze3A_585 : f32 to vector<16xf32>
            %mul3A_587 = arith.mulf %mul3A_586, %get3A_389 : vector<16xf32>
            %swap3A_588 = arith.index_cast %scan3A_205 : i32 to index
            %swap3A_589 = arith.constant 192 : index
            %swap3A_590 = tpu.vector_load %arg9[%swap3A_588, %swap3A_589] {strides = array<i32>} : memref<24x480xf32, #tpu.memory_space<vmem>>, vector<1x16xf32>,
            %swap3A_591 = vector.shape_cast %swap3A_590 : vector<1x16xf32> to vector<16xf32>
            %swap3A_592 = vector.shape_cast %mul3A_587 : vector<16xf32> to vector<1x16xf32>
            tpu.vector_store %arg9[%swap3A_588, %swap3A_589], %swap3A_592 {add = true, strides = array<i32>} : memref<24x480xf32, #tpu.memory_space<vmem>>, vector<1x16xf32>,
            %mul3A_593 = vector.broadcast %squeeze3A_585 : f32 to vector<16xf32>
            %mul3A_594 = arith.mulf %mul3A_593, %get3A_393 : vector<16xf32>
            %swap3A_595 = arith.index_cast %scan3A_205 : i32 to index
            %swap3A_596 = arith.constant 208 : index
            %swap3A_597 = tpu.vector_load %arg9[%swap3A_595, %swap3A_596] {strides = array<i32>} : memref<24x480xf32, #tpu.memory_space<vmem>>, vector<1x16xf32>,
            %swap3A_598 = vector.shape_cast %swap3A_597 : vector<1x16xf32> to vector<16xf32>
            %swap3A_599 = vector.shape_cast %mul3A_594 : vector<16xf32> to vector<1x16xf32>
            tpu.vector_store %arg9[%swap3A_595, %swap3A_596], %swap3A_599 {add = true, strides = array<i32>} : memref<24x480xf32, #tpu.memory_space<vmem>>, vector<1x16xf32>,
            %slice3A_600 = vector.extract_strided_slice %bitcast_convert_type3A_487 {offsets = [7], sizes = [1], strides = [1]} : vector<16xf32> to vector<1xf32>
            %squeeze3A_601 = vector.extract %slice3A_600[0] : f32 from vector<1xf32>
            %mul3A_602 = vector.broadcast %squeeze3A_601 : f32 to vector<16xf32>
            %mul3A_603 = arith.mulf %mul3A_602, %get3A_389 : vector<16xf32>
            %swap3A_604 = arith.index_cast %scan3A_205 : i32 to index
            %swap3A_605 = arith.constant 224 : index
            %swap3A_606 = tpu.vector_load %arg9[%swap3A_604, %swap3A_605] {strides = array<i32>} : memref<24x480xf32, #tpu.memory_space<vmem>>, vector<1x16xf32>,
            %swap3A_607 = vector.shape_cast %swap3A_606 : vector<1x16xf32> to vector<16xf32>
            %swap3A_608 = vector.shape_cast %mul3A_603 : vector<16xf32> to vector<1x16xf32>
            tpu.vector_store %arg9[%swap3A_604, %swap3A_605], %swap3A_608 {add = true, strides = array<i32>} : memref<24x480xf32, #tpu.memory_space<vmem>>, vector<1x16xf32>,
            %mul3A_609 = vector.broadcast %squeeze3A_601 : f32 to vector<16xf32>
            %mul3A_610 = arith.mulf %mul3A_609, %get3A_393 : vector<16xf32>
            %swap3A_611 = arith.index_cast %scan3A_205 : i32 to index
            %swap3A_612 = arith.constant 240 : index
            %swap3A_613 = tpu.vector_load %arg9[%swap3A_611, %swap3A_612] {strides = array<i32>} : memref<24x480xf32, #tpu.memory_space<vmem>>, vector<1x16xf32>,
            %swap3A_614 = vector.shape_cast %swap3A_613 : vector<1x16xf32> to vector<16xf32>
            %swap3A_615 = vector.shape_cast %mul3A_610 : vector<16xf32> to vector<1x16xf32>
            tpu.vector_store %arg9[%swap3A_611, %swap3A_612], %swap3A_615 {add = true, strides = array<i32>} : memref<24x480xf32, #tpu.memory_space<vmem>>, vector<1x16xf32>,
            %slice3A_616 = vector.extract_strided_slice %bitcast_convert_type3A_487 {offsets = [8], sizes = [1], strides = [1]} : vector<16xf32> to vector<1xf32>
            %squeeze3A_617 = vector.extract %slice3A_616[0] : f32 from vector<1xf32>
            %mul3A_618 = vector.broadcast %squeeze3A_617 : f32 to vector<16xf32>
            %mul3A_619 = arith.mulf %mul3A_618, %get3A_389 : vector<16xf32>
            %swap3A_620 = arith.index_cast %scan3A_205 : i32 to index
            %swap3A_621 = arith.constant 256 : index
            %swap3A_622 = tpu.vector_load %arg9[%swap3A_620, %swap3A_621] {strides = array<i32>} : memref<24x480xf32, #tpu.memory_space<vmem>>, vector<1x16xf32>,
            %swap3A_623 = vector.shape_cast %swap3A_622 : vector<1x16xf32> to vector<16xf32>
            %swap3A_624 = vector.shape_cast %mul3A_619 : vector<16xf32> to vector<1x16xf32>
            tpu.vector_store %arg9[%swap3A_620, %swap3A_621], %swap3A_624 {add = true, strides = array<i32>} : memref<24x480xf32, #tpu.memory_space<vmem>>, vector<1x16xf32>,
            %mul3A_625 = vector.broadcast %squeeze3A_617 : f32 to vector<16xf32>
            %mul3A_626 = arith.mulf %mul3A_625, %get3A_393 : vector<16xf32>
            %swap3A_627 = arith.index_cast %scan3A_205 : i32 to index
            %swap3A_628 = arith.constant 272 : index
            %swap3A_629 = tpu.vector_load %arg9[%swap3A_627, %swap3A_628] {strides = array<i32>} : memref<24x480xf32, #tpu.memory_space<vmem>>, vector<1x16xf32>,
            %swap3A_630 = vector.shape_cast %swap3A_629 : vector<1x16xf32> to vector<16xf32>
            %swap3A_631 = vector.shape_cast %mul3A_626 : vector<16xf32> to vector<1x16xf32>
            tpu.vector_store %arg9[%swap3A_627, %swap3A_628], %swap3A_631 {add = true, strides = array<i32>} : memref<24x480xf32, #tpu.memory_space<vmem>>, vector<1x16xf32>,
            %slice3A_632 = vector.extract_strided_slice %bitcast_convert_type3A_487 {offsets = [9], sizes = [1], strides = [1]} : vector<16xf32> to vector<1xf32>
            %squeeze3A_633 = vector.extract %slice3A_632[0] : f32 from vector<1xf32>
            %mul3A_634 = vector.broadcast %squeeze3A_633 : f32 to vector<16xf32>
            %mul3A_635 = arith.mulf %mul3A_634, %get3A_389 : vector<16xf32>
            %swap3A_636 = arith.index_cast %scan3A_205 : i32 to index
            %swap3A_637 = arith.constant 288 : index
            %swap3A_638 = tpu.vector_load %arg9[%swap3A_636, %swap3A_637] {strides = array<i32>} : memref<24x480xf32, #tpu.memory_space<vmem>>, vector<1x16xf32>,
            %swap3A_639 = vector.shape_cast %swap3A_638 : vector<1x16xf32> to vector<16xf32>
            %swap3A_640 = vector.shape_cast %mul3A_635 : vector<16xf32> to vector<1x16xf32>
            tpu.vector_store %arg9[%swap3A_636, %swap3A_637], %swap3A_640 {add = true, strides = array<i32>} : memref<24x480xf32, #tpu.memory_space<vmem>>, vector<1x16xf32>,
            %mul3A_641 = vector.broadcast %squeeze3A_633 : f32 to vector<16xf32>
            %mul3A_642 = arith.mulf %mul3A_641, %get3A_393 : vector<16xf32>
            %swap3A_643 = arith.index_cast %scan3A_205 : i32 to index
            %swap3A_644 = arith.constant 304 : index
            %swap3A_645 = tpu.vector_load %arg9[%swap3A_643, %swap3A_644] {strides = array<i32>} : memref<24x480xf32, #tpu.memory_space<vmem>>, vector<1x16xf32>,
            %swap3A_646 = vector.shape_cast %swap3A_645 : vector<1x16xf32> to vector<16xf32>
            %swap3A_647 = vector.shape_cast %mul3A_642 : vector<16xf32> to vector<1x16xf32>
            tpu.vector_store %arg9[%swap3A_643, %swap3A_644], %swap3A_647 {add = true, strides = array<i32>} : memref<24x480xf32, #tpu.memory_space<vmem>>, vector<1x16xf32>,
            %slice3A_648 = vector.extract_strided_slice %bitcast_convert_type3A_487 {offsets = [10], sizes = [1], strides = [1]} : vector<16xf32> to vector<1xf32>
            %squeeze3A_649 = vector.extract %slice3A_648[0] : f32 from vector<1xf32>
            %mul3A_650 = vector.broadcast %squeeze3A_649 : f32 to vector<16xf32>
            %mul3A_651 = arith.mulf %mul3A_650, %get3A_389 : vector<16xf32>
            %swap3A_652 = arith.index_cast %scan3A_205 : i32 to index
            %swap3A_653 = arith.constant 320 : index
            %swap3A_654 = tpu.vector_load %arg9[%swap3A_652, %swap3A_653] {strides = array<i32>} : memref<24x480xf32, #tpu.memory_space<vmem>>, vector<1x16xf32>,
            %swap3A_655 = vector.shape_cast %swap3A_654 : vector<1x16xf32> to vector<16xf32>
            %swap3A_656 = vector.shape_cast %mul3A_651 : vector<16xf32> to vector<1x16xf32>
            tpu.vector_store %arg9[%swap3A_652, %swap3A_653], %swap3A_656 {add = true, strides = array<i32>} : memref<24x480xf32, #tpu.memory_space<vmem>>, vector<1x16xf32>,
            %mul3A_657 = vector.broadcast %squeeze3A_649 : f32 to vector<16xf32>
            %mul3A_658 = arith.mulf %mul3A_657, %get3A_393 : vector<16xf32>
            %swap3A_659 = arith.index_cast %scan3A_205 : i32 to index
            %swap3A_660 = arith.constant 336 : index
            %swap3A_661 = tpu.vector_load %arg9[%swap3A_659, %swap3A_660] {strides = array<i32>} : memref<24x480xf32, #tpu.memory_space<vmem>>, vector<1x16xf32>,
            %swap3A_662 = vector.shape_cast %swap3A_661 : vector<1x16xf32> to vector<16xf32>
            %swap3A_663 = vector.shape_cast %mul3A_658 : vector<16xf32> to vector<1x16xf32>
            tpu.vector_store %arg9[%swap3A_659, %swap3A_660], %swap3A_663 {add = true, strides = array<i32>} : memref<24x480xf32, #tpu.memory_space<vmem>>, vector<1x16xf32>,
            %slice3A_664 = vector.extract_strided_slice %bitcast_convert_type3A_487 {offsets = [11], sizes = [1], strides = [1]} : vector<16xf32> to vector<1xf32>
            %squeeze3A_665 = vector.extract %slice3A_664[0] : f32 from vector<1xf32>
            %mul3A_666 = vector.broadcast %squeeze3A_665 : f32 to vector<16xf32>
            %mul3A_667 = arith.mulf %mul3A_666, %get3A_389 : vector<16xf32>
            %swap3A_668 = arith.index_cast %scan3A_205 : i32 to index
            %swap3A_669 = arith.constant 352 : index
            %swap3A_670 = tpu.vector_load %arg9[%swap3A_668, %swap3A_669] {strides = array<i32>} : memref<24x480xf32, #tpu.memory_space<vmem>>, vector<1x16xf32>,
            %swap3A_671 = vector.shape_cast %swap3A_670 : vector<1x16xf32> to vector<16xf32>
            %swap3A_672 = vector.shape_cast %mul3A_667 : vector<16xf32> to vector<1x16xf32>
            tpu.vector_store %arg9[%swap3A_668, %swap3A_669], %swap3A_672 {add = true, strides = array<i32>} : memref<24x480xf32, #tpu.memory_space<vmem>>, vector<1x16xf32>,
            %mul3A_673 = vector.broadcast %squeeze3A_665 : f32 to vector<16xf32>
            %mul3A_674 = arith.mulf %mul3A_673, %get3A_393 : vector<16xf32>
            %swap3A_675 = arith.index_cast %scan3A_205 : i32 to index
            %swap3A_676 = arith.constant 368 : index
            %swap3A_677 = tpu.vector_load %arg9[%swap3A_675, %swap3A_676] {strides = array<i32>} : memref<24x480xf32, #tpu.memory_space<vmem>>, vector<1x16xf32>,
            %swap3A_678 = vector.shape_cast %swap3A_677 : vector<1x16xf32> to vector<16xf32>
            %swap3A_679 = vector.shape_cast %mul3A_674 : vector<16xf32> to vector<1x16xf32>
            tpu.vector_store %arg9[%swap3A_675, %swap3A_676], %swap3A_679 {add = true, strides = array<i32>} : memref<24x480xf32, #tpu.memory_space<vmem>>, vector<1x16xf32>,
            %slice3A_680 = vector.extract_strided_slice %bitcast_convert_type3A_487 {offsets = [12], sizes = [1], strides = [1]} : vector<16xf32> to vector<1xf32>
            %squeeze3A_681 = vector.extract %slice3A_680[0] : f32 from vector<1xf32>
            %mul3A_682 = vector.broadcast %squeeze3A_681 : f32 to vector<16xf32>
            %mul3A_683 = arith.mulf %mul3A_682, %get3A_389 : vector<16xf32>
            %swap3A_684 = arith.index_cast %scan3A_205 : i32 to index
            %swap3A_685 = arith.constant 384 : index
            %swap3A_686 = tpu.vector_load %arg9[%swap3A_684, %swap3A_685] {strides = array<i32>} : memref<24x480xf32, #tpu.memory_space<vmem>>, vector<1x16xf32>,
            %swap3A_687 = vector.shape_cast %swap3A_686 : vector<1x16xf32> to vector<16xf32>
            %swap3A_688 = vector.shape_cast %mul3A_683 : vector<16xf32> to vector<1x16xf32>
            tpu.vector_store %arg9[%swap3A_684, %swap3A_685], %swap3A_688 {add = true, strides = array<i32>} : memref<24x480xf32, #tpu.memory_space<vmem>>, vector<1x16xf32>,
            %mul3A_689 = vector.broadcast %squeeze3A_681 : f32 to vector<16xf32>
            %mul3A_690 = arith.mulf %mul3A_689, %get3A_393 : vector<16xf32>
            %swap3A_691 = arith.index_cast %scan3A_205 : i32 to index
            %swap3A_692 = arith.constant 400 : index
            %swap3A_693 = tpu.vector_load %arg9[%swap3A_691, %swap3A_692] {strides = array<i32>} : memref<24x480xf32, #tpu.memory_space<vmem>>, vector<1x16xf32>,
            %swap3A_694 = vector.shape_cast %swap3A_693 : vector<1x16xf32> to vector<16xf32>
            %swap3A_695 = vector.shape_cast %mul3A_690 : vector<16xf32> to vector<1x16xf32>
            tpu.vector_store %arg9[%swap3A_691, %swap3A_692], %swap3A_695 {add = true, strides = array<i32>} : memref<24x480xf32, #tpu.memory_space<vmem>>, vector<1x16xf32>,
            %slice3A_696 = vector.extract_strided_slice %bitcast_convert_type3A_487 {offsets = [13], sizes = [1], strides = [1]} : vector<16xf32> to vector<1xf32>
            %squeeze3A_697 = vector.extract %slice3A_696[0] : f32 from vector<1xf32>
            %mul3A_698 = vector.broadcast %squeeze3A_697 : f32 to vector<16xf32>
            %mul3A_699 = arith.mulf %mul3A_698, %get3A_389 : vector<16xf32>
            %swap3A_700 = arith.index_cast %scan3A_205 : i32 to index
            %swap3A_701 = arith.constant 416 : index
            %swap3A_702 = tpu.vector_load %arg9[%swap3A_700, %swap3A_701] {strides = array<i32>} : memref<24x480xf32, #tpu.memory_space<vmem>>, vector<1x16xf32>,
            %swap3A_703 = vector.shape_cast %swap3A_702 : vector<1x16xf32> to vector<16xf32>
            %swap3A_704 = vector.shape_cast %mul3A_699 : vector<16xf32> to vector<1x16xf32>
            tpu.vector_store %arg9[%swap3A_700, %swap3A_701], %swap3A_704 {add = true, strides = array<i32>} : memref<24x480xf32, #tpu.memory_space<vmem>>, vector<1x16xf32>,
            %mul3A_705 = vector.broadcast %squeeze3A_697 : f32 to vector<16xf32>
            %mul3A_706 = arith.mulf %mul3A_705, %get3A_393 : vector<16xf32>
            %swap3A_707 = arith.index_cast %scan3A_205 : i32 to index
            %swap3A_708 = arith.constant 432 : index
            %swap3A_709 = tpu.vector_load %arg9[%swap3A_707, %swap3A_708] {strides = array<i32>} : memref<24x480xf32, #tpu.memory_space<vmem>>, vector<1x16xf32>,
            %swap3A_710 = vector.shape_cast %swap3A_709 : vector<1x16xf32> to vector<16xf32>
            %swap3A_711 = vector.shape_cast %mul3A_706 : vector<16xf32> to vector<1x16xf32>
            tpu.vector_store %arg9[%swap3A_707, %swap3A_708], %swap3A_711 {add = true, strides = array<i32>} : memref<24x480xf32, #tpu.memory_space<vmem>>, vector<1x16xf32>,
            %slice3A_712 = vector.extract_strided_slice %bitcast_convert_type3A_487 {offsets = [14], sizes = [1], strides = [1]} : vector<16xf32> to vector<1xf32>
            %squeeze3A_713 = vector.extract %slice3A_712[0] : f32 from vector<1xf32>
            %mul3A_714 = vector.broadcast %squeeze3A_713 : f32 to vector<16xf32>
            %mul3A_715 = arith.mulf %mul3A_714, %get3A_389 : vector<16xf32>
            %swap3A_716 = arith.index_cast %scan3A_205 : i32 to index
            %swap3A_717 = arith.constant 448 : index
            %swap3A_718 = tpu.vector_load %arg9[%swap3A_716, %swap3A_717] {strides = array<i32>} : memref<24x480xf32, #tpu.memory_space<vmem>>, vector<1x16xf32>,
            %swap3A_719 = vector.shape_cast %swap3A_718 : vector<1x16xf32> to vector<16xf32>
            %swap3A_720 = vector.shape_cast %mul3A_715 : vector<16xf32> to vector<1x16xf32>
            tpu.vector_store %arg9[%swap3A_716, %swap3A_717], %swap3A_720 {add = true, strides = array<i32>} : memref<24x480xf32, #tpu.memory_space<vmem>>, vector<1x16xf32>,
            %mul3A_721 = vector.broadcast %squeeze3A_713 : f32 to vector<16xf32>
            %mul3A_722 = arith.mulf %mul3A_721, %get3A_393 : vector<16xf32>
            %swap3A_723 = arith.index_cast %scan3A_205 : i32 to index
            %swap3A_724 = arith.constant 464 : index
            %swap3A_725 = tpu.vector_load %arg9[%swap3A_723, %swap3A_724] {strides = array<i32>} : memref<24x480xf32, #tpu.memory_space<vmem>>, vector<1x16xf32>,
            %swap3A_726 = vector.shape_cast %swap3A_725 : vector<1x16xf32> to vector<16xf32>
            %swap3A_727 = vector.shape_cast %mul3A_722 : vector<16xf32> to vector<1x16xf32>
            tpu.vector_store %arg9[%swap3A_723, %swap3A_724], %swap3A_727 {add = true, strides = array<i32>} : memref<24x480xf32, #tpu.memory_space<vmem>>, vector<1x16xf32>,
          } else {
          }
        }
        %scan3A_367 = arith.constant 34 : i32
      }
      %scan3A_204 = arith.constant 24 : i32
      "tpu.region"() ({
        %run_scoped3A = tpu.sem_alloc : memref<!tpu.dma_semaphore, #tpu.memory_space<semaphore_mem>>
        %dma_start3A_205 = arith.constant 0 : i32
        %dma_start3A_206 = tpu.memref_slice %arg5[%add3A_35, %dma_start3A_205] : memref<50688x480xf32, #tpu.memory_space<hbm>> -> memref<24x480xf32, #tpu.memory_space<hbm>>
        %dma_start3A_207 = arith.constant 0 : i32
        %dma_start3A_208 = tpu.memref_slice %arg5[%add3A_35, %dma_start3A_207] : memref<50688x480xf32, #tpu.memory_space<hbm>> -> memref<24x480xf32, #tpu.memory_space<hbm>>
        tpu.enqueue_dma source(%arg9 : memref<24x480xf32, #tpu.memory_space<vmem>>) target(%dma_start3A_208 : memref<24x480xf32, #tpu.memory_space<hbm>>) target_semaphore(%run_scoped3A : memref<!tpu.dma_semaphore, #tpu.memory_space<semaphore_mem>>)
        %dma_wait3A_209 = arith.constant 0 : i32
        %dma_wait3A_210 = tpu.memref_slice %arg5[%add3A_35, %dma_wait3A_209] : memref<50688x480xf32, #tpu.memory_space<hbm>> -> memref<24x480xf32, #tpu.memory_space<hbm>>
        %dma_wait3A_211 = arith.constant 0 : i32
        %dma_wait3A_212 = tpu.memref_slice %arg5[%add3A_35, %dma_wait3A_211] : memref<50688x480xf32, #tpu.memory_space<hbm>> -> memref<24x480xf32, #tpu.memory_space<hbm>>
        tpu.wait_dma2 semaphore(%run_scoped3A : memref<!tpu.dma_semaphore, #tpu.memory_space<semaphore_mem>>) src(%arg9 : memref<24x480xf32, #tpu.memory_space<vmem>>) dst(%dma_wait3A_212 : memref<24x480xf32, #tpu.memory_space<hbm>>)
        tpu.yield
      }) : () -> ()
    }
    %scan3A_29 = arith.constant 66 : i32
    return
  }
}

module attributes {stable_mosaic.version = 14 : i64} {
  func.func @_mm_stats_body(%arg0: i32, %arg1: memref<256x128xf32, #tpu.memory_space<vmem>>, %arg2: memref<128x32xf32, #tpu.memory_space<vmem>>, %arg3: memref<1x32xf32, #tpu.memory_space<vmem>>, %arg4: memref<256x32xf32, #tpu.memory_space<vmem>>, %arg5: memref<1x8x32xf32, #tpu.memory_space<vmem>>) attributes {dimension_semantics = [#tpu.dimension_semantics<arbitrary>], iteration_bounds = array<i64: 198>, scalar_prefetch = 0 : i64, scratch_operands = 0 : i64, tpu.core_type = #tpu.core_type<tc>, window_params = [{transform_indices = @transform_0, window_bounds = array<i64: 256, 128>}, {pipeline_mode = #tpu.pipeline_mode<synchronous>, transform_indices = @transform_1, window_bounds = array<i64: 128, 32>}, {pipeline_mode = #tpu.pipeline_mode<synchronous>, transform_indices = @transform_2, window_bounds = array<i64: 1, 32>}, {transform_indices = @transform_3, window_bounds = array<i64: 256, 32>}, {transform_indices = @transform_4, window_bounds = array<i64: 1, 8, 32>}]} {
    %get3A = arith.constant 0 : index
    %get3A_0 = arith.constant 0 : index
    %get3A_1 = vector.load %arg1[%get3A, %get3A_0] : memref<256x128xf32, #tpu.memory_space<vmem>>, vector<256x128xf32>
    %get3A_2 = arith.constant 0 : index
    %get3A_3 = arith.constant 0 : index
    %get3A_4 = vector.load %arg2[%get3A_2, %get3A_3] : memref<128x32xf32, #tpu.memory_space<vmem>>, vector<128x32xf32>
    %convert_element_type3A = arith.truncf %get3A_1 : vector<256x128xf32> to vector<256x128xbf16>
    %convert_element_type3A_5 = arith.extf %convert_element_type3A : vector<256x128xbf16> to vector<256x128xf32>
    %convert_element_type3A_6 = arith.truncf %get3A_4 : vector<128x32xf32> to vector<128x32xbf16>
    %convert_element_type3A_7 = arith.extf %convert_element_type3A_6 : vector<128x32xbf16> to vector<128x32xf32>
    %dot_general3A = arith.constant dense<0.000000e+00> : vector<256x32xf32>
    %dot_general3A_8 = tpu.matmul %convert_element_type3A_5, %convert_element_type3A_7, %dot_general3A {dimension_numbers = #tpu.dot_dimension_numbers<[1], [0], [0], [1], [0, 0, 1, 1], [], []>, precision = #tpu.contract_precision<fp32>, transpose_lhs_hint = false} : vector<256x128xf32>, vector<128x32xf32>, vector<256x32xf32> -> vector<256x32xf32>
    %get3A_9 = arith.constant 0 : index
    %get3A_10 = arith.constant 0 : index
    %get3A_11 = vector.load %arg3[%get3A_9, %get3A_10] : memref<1x32xf32, #tpu.memory_space<vmem>>, vector<1x32xf32>
    %get3A_12 = vector.shape_cast %get3A_11 : vector<1x32xf32> to vector<32xf32>
    %broadcast_in_dim3A = vector.shape_cast %get3A_12 : vector<32xf32> to vector<1x32xf32>
    %add3A = vector.broadcast %broadcast_in_dim3A : vector<1x32xf32> to vector<256x32xf32>
    %add3A_13 = arith.addf %dot_general3A_8, %add3A : vector<256x32xf32>
    %swap3A = arith.constant 0 : index
    %swap3A_14 = arith.constant 0 : index
    %swap3A_15 = vector.load %arg4[%swap3A, %swap3A_14] : memref<256x32xf32, #tpu.memory_space<vmem>>, vector<256x32xf32>
    tpu.vector_store %arg4[%swap3A, %swap3A_14], %add3A_13 {strides = array<i32>} : memref<256x32xf32, #tpu.memory_space<vmem>>, vector<256x32xf32>,
    %mul3A = arith.constant 256 : i32
    %mul3A_16 = arith.muli %arg0, %mul3A : i32
    %iota3A = tpu.iota {dimensions = array<i32: 0>} : vector<256x1xi32>
    %add3A_17 = vector.broadcast %mul3A_16 : i32 to vector<256x1xi32>
    %add3A_18 = arith.addi %add3A_17, %iota3A : vector<256x1xi32>
    %lt3A = arith.constant 50000 : i32
    %lt3A_19 = vector.broadcast %lt3A : i32 to vector<256x1xi32>
    %lt3A_20 = arith.cmpi slt, %add3A_18, %lt3A_19 : vector<256x1xi32>
    %jit3A = arith.constant 0.000000e+00 : f32
    %broadcast_in_dim3A_21 = vector.shape_cast %lt3A_20 : vector<256x1xi1> to vector<256x1xi1>
    %broadcast_in_dim3A_22 = vector.broadcast %broadcast_in_dim3A_21 : vector<256x1xi1> to vector<256x32xi1>
    %broadcast_in_dim3A_23 = vector.broadcast %jit3A : f32 to vector<256x32xf32>
    %select_n3A = arith.select %broadcast_in_dim3A_22, %add3A_13, %broadcast_in_dim3A_23 : vector<256x32xi1>, vector<256x32xf32>
    %reduce_sum3A = arith.constant dense<0.000000e+00> : vector<32xf32>
    %reduce_sum3A_24 = vector.multi_reduction <add>, %select_n3A, %reduce_sum3A [0] : vector<256x32xf32> to vector<32xf32>
    %broadcast_in_dim3A_25 = vector.shape_cast %reduce_sum3A_24 : vector<32xf32> to vector<1x32xf32>
    %mul3A_26 = arith.mulf %select_n3A, %select_n3A : vector<256x32xf32>
    %reduce_sum3A_27 = arith.constant dense<0.000000e+00> : vector<32xf32>
    %reduce_sum3A_28 = vector.multi_reduction <add>, %mul3A_26, %reduce_sum3A_27 [0] : vector<256x32xf32> to vector<32xf32>
    %broadcast_in_dim3A_29 = vector.shape_cast %reduce_sum3A_28 : vector<32xf32> to vector<1x32xf32>
    %broadcast_in_dim3A_30 = arith.constant 0.000000e+00 : f32
    %broadcast_in_dim3A_31 = vector.broadcast %broadcast_in_dim3A_30 : f32 to vector<6x32xf32>
    %concatenate3A = tpu.concatenate %broadcast_in_dim3A_25, %broadcast_in_dim3A_29, %broadcast_in_dim3A_31 in 0 : vector<1x32xf32>, vector<1x32xf32>, vector<6x32xf32> -> vector<8x32xf32>
    %broadcast_in_dim3A_32 = vector.shape_cast %concatenate3A : vector<8x32xf32> to vector<1x8x32xf32>
    %swap3A_33 = arith.constant 0 : index
    %swap3A_34 = arith.constant 0 : index
    %swap3A_35 = arith.constant 0 : index
    %swap3A_36 = vector.load %arg5[%swap3A_33, %swap3A_34, %swap3A_35] : memref<1x8x32xf32, #tpu.memory_space<vmem>>, vector<1x8x32xf32>
    tpu.vector_store %arg5[%swap3A_33, %swap3A_34, %swap3A_35], %broadcast_in_dim3A_32 {strides = array<i32>} : memref<1x8x32xf32, #tpu.memory_space<vmem>>, vector<1x8x32xf32>,
    return
  }
  func.func @transform_0(%arg0: i32) -> (i32, i32) {
    %c0_i32 = arith.constant 0 : i32
    %c0_i32_0 = arith.constant 0 : i32
    return %arg0, %c0_i32 : i32, i32
  }
  func.func @transform_1(%arg0: i32) -> (i32, i32) {
    %c0_i32 = arith.constant 0 : i32
    %c0_i32_0 = arith.constant 0 : i32
    %c0_i32_1 = arith.constant 0 : i32
    return %c0_i32, %c0_i32_0 : i32, i32
  }
  func.func @transform_2(%arg0: i32) -> (i32, i32) {
    %c0_i32 = arith.constant 0 : i32
    %c0_i32_0 = arith.constant 0 : i32
    %c0_i32_1 = arith.constant 0 : i32
    return %c0_i32, %c0_i32_0 : i32, i32
  }
  func.func @transform_3(%arg0: i32) -> (i32, i32) {
    %c0_i32 = arith.constant 0 : i32
    %c0_i32_0 = arith.constant 0 : i32
    return %arg0, %c0_i32 : i32, i32
  }
  func.func @transform_4(%arg0: i32) -> (i32, i32, i32) {
    %c0_i32 = arith.constant 0 : i32
    %c0_i32_0 = arith.constant 0 : i32
    %c0_i32_1 = arith.constant 0 : i32
    return %arg0, %c0_i32, %c0_i32_0 : i32, i32, i32
  }
}

module attributes {stable_mosaic.version = 14 : i64} {
  func.func @_table_body(%arg0: i32, %arg1: memref<256x32xf32, #tpu.memory_space<vmem>>, %arg2: memref<256x3xf32, #tpu.memory_space<vmem>>, %arg3: memref<1x32xf32, #tpu.memory_space<vmem>>, %arg4: memref<1x32xf32, #tpu.memory_space<vmem>>, %arg5: memref<256x48xf32, #tpu.memory_space<vmem>>) attributes {dimension_semantics = [#tpu.dimension_semantics<arbitrary>], iteration_bounds = array<i64: 198>, scalar_prefetch = 0 : i64, scratch_operands = 0 : i64, tpu.core_type = #tpu.core_type<tc>, window_params = [{transform_indices = @transform_0, window_bounds = array<i64: 256, 32>}, {transform_indices = @transform_1, window_bounds = array<i64: 256, 3>}, {pipeline_mode = #tpu.pipeline_mode<synchronous>, transform_indices = @transform_2, window_bounds = array<i64: 1, 32>}, {pipeline_mode = #tpu.pipeline_mode<synchronous>, transform_indices = @transform_3, window_bounds = array<i64: 1, 32>}, {transform_indices = @transform_4, window_bounds = array<i64: 256, 48>}]} {
    %get3A = arith.constant 0 : index
    %get3A_0 = arith.constant 0 : index
    %get3A_1 = vector.load %arg1[%get3A, %get3A_0] : memref<256x32xf32, #tpu.memory_space<vmem>>, vector<256x32xf32>
    %get3A_2 = arith.constant 0 : index
    %get3A_3 = arith.constant 0 : index
    %get3A_4 = vector.load %arg3[%get3A_2, %get3A_3] : memref<1x32xf32, #tpu.memory_space<vmem>>, vector<1x32xf32>
    %get3A_5 = vector.shape_cast %get3A_4 : vector<1x32xf32> to vector<32xf32>
    %broadcast_in_dim3A = vector.shape_cast %get3A_5 : vector<32xf32> to vector<1x32xf32>
    %mul3A = vector.broadcast %broadcast_in_dim3A : vector<1x32xf32> to vector<256x32xf32>
    %mul3A_6 = arith.mulf %get3A_1, %mul3A : vector<256x32xf32>
    %get3A_7 = arith.constant 0 : index
    %get3A_8 = arith.constant 0 : index
    %get3A_9 = vector.load %arg4[%get3A_7, %get3A_8] : memref<1x32xf32, #tpu.memory_space<vmem>>, vector<1x32xf32>
    %get3A_10 = vector.shape_cast %get3A_9 : vector<1x32xf32> to vector<32xf32>
    %broadcast_in_dim3A_11 = vector.shape_cast %get3A_10 : vector<32xf32> to vector<1x32xf32>
    %add3A = vector.broadcast %broadcast_in_dim3A_11 : vector<1x32xf32> to vector<256x32xf32>
    %add3A_12 = arith.addf %mul3A_6, %add3A : vector<256x32xf32>
    %ge3A = arith.constant 0.000000e+00 : f32
    %ge3A_13 = vector.broadcast %ge3A : f32 to vector<256x32xf32>
    %ge3A_14 = arith.cmpf oge, %add3A_12, %ge3A_13 : vector<256x32xf32>
    %mul3A_15 = arith.constant 0.00999999977 : f32
    %mul3A_16 = vector.broadcast %mul3A_15 : f32 to vector<256x32xf32>
    %mul3A_17 = arith.mulf %mul3A_16, %add3A_12 : vector<256x32xf32>
    %select_n3A = arith.select %ge3A_14, %add3A_12, %mul3A_17 : vector<256x32xi1>, vector<256x32xf32>
    %convert_element_type3A = arith.truncf %select_n3A : vector<256x32xf32> to vector<256x32xbf16>
    %convert_element_type3A_18 = arith.extf %convert_element_type3A : vector<256x32xbf16> to vector<256x32xf32>
    %get3A_19 = arith.constant 0 : index
    %get3A_20 = arith.constant 0 : index
    %get3A_21 = vector.load %arg2[%get3A_19, %get3A_20] : memref<256x3xf32, #tpu.memory_space<vmem>>, vector<256x3xf32>
    %broadcast_in_dim3A_22 = arith.constant 0.000000e+00 : f32
    %broadcast_in_dim3A_23 = vector.broadcast %broadcast_in_dim3A_22 : f32 to vector<256x13xf32>
    %concatenate3A = tpu.concatenate %convert_element_type3A_18, %get3A_21, %broadcast_in_dim3A_23 in 1 : vector<256x32xf32>, vector<256x3xf32>, vector<256x13xf32> -> vector<256x48xf32>
    %swap3A = arith.constant 0 : index
    %swap3A_24 = arith.constant 0 : index
    %swap3A_25 = vector.load %arg5[%swap3A, %swap3A_24] : memref<256x48xf32, #tpu.memory_space<vmem>>, vector<256x48xf32>
    tpu.vector_store %arg5[%swap3A, %swap3A_24], %concatenate3A {strides = array<i32>} : memref<256x48xf32, #tpu.memory_space<vmem>>, vector<256x48xf32>,
    return
  }
  func.func @transform_0(%arg0: i32) -> (i32, i32) {
    %c0_i32 = arith.constant 0 : i32
    %c0_i32_0 = arith.constant 0 : i32
    return %arg0, %c0_i32 : i32, i32
  }
  func.func @transform_1(%arg0: i32) -> (i32, i32) {
    %c0_i32 = arith.constant 0 : i32
    %c0_i32_0 = arith.constant 0 : i32
    return %arg0, %c0_i32 : i32, i32
  }
  func.func @transform_2(%arg0: i32) -> (i32, i32) {
    %c0_i32 = arith.constant 0 : i32
    %c0_i32_0 = arith.constant 0 : i32
    %c0_i32_1 = arith.constant 0 : i32
    return %c0_i32, %c0_i32_0 : i32, i32
  }
  func.func @transform_3(%arg0: i32) -> (i32, i32) {
    %c0_i32 = arith.constant 0 : i32
    %c0_i32_0 = arith.constant 0 : i32
    %c0_i32_1 = arith.constant 0 : i32
    return %c0_i32, %c0_i32_0 : i32, i32
  }
  func.func @transform_4(%arg0: i32) -> (i32, i32) {
    %c0_i32 = arith.constant 0 : i32
    %c0_i32_0 = arith.constant 0 : i32
    return %arg0, %c0_i32 : i32, i32
  }
}

module attributes {stable_mosaic.version = 14 : i64} {
  func.func @_fc2_stats_body(%arg0: i32, %arg1: memref<256x480xf32, #tpu.memory_space<vmem>>, %arg2: memref<480x32xf32, #tpu.memory_space<vmem>>, %arg3: memref<32x128xf32, #tpu.memory_space<vmem>>, %arg4: memref<1x128xf32, #tpu.memory_space<vmem>>, %arg5: memref<256x128xf32, #tpu.memory_space<vmem>>, %arg6: memref<1x8x128xf32, #tpu.memory_space<vmem>>) attributes {dimension_semantics = [#tpu.dimension_semantics<arbitrary>], iteration_bounds = array<i64: 198>, scalar_prefetch = 0 : i64, scratch_operands = 0 : i64, tpu.core_type = #tpu.core_type<tc>, window_params = [{transform_indices = @transform_0, window_bounds = array<i64: 256, 480>}, {pipeline_mode = #tpu.pipeline_mode<synchronous>, transform_indices = @transform_1, window_bounds = array<i64: 480, 32>}, {pipeline_mode = #tpu.pipeline_mode<synchronous>, transform_indices = @transform_2, window_bounds = array<i64: 32, 128>}, {pipeline_mode = #tpu.pipeline_mode<synchronous>, transform_indices = @transform_3, window_bounds = array<i64: 1, 128>}, {transform_indices = @transform_4, window_bounds = array<i64: 256, 128>}, {transform_indices = @transform_5, window_bounds = array<i64: 1, 8, 128>}]} {
    %get3A = arith.constant 0 : index
    %get3A_0 = arith.constant 0 : index
    %get3A_1 = vector.load %arg1[%get3A, %get3A_0] : memref<256x480xf32, #tpu.memory_space<vmem>>, vector<256x480xf32>
    %get3A_2 = arith.constant 0 : index
    %get3A_3 = arith.constant 0 : index
    %get3A_4 = vector.load %arg2[%get3A_2, %get3A_3] : memref<480x32xf32, #tpu.memory_space<vmem>>, vector<480x32xf32>
    %convert_element_type3A = arith.truncf %get3A_1 : vector<256x480xf32> to vector<256x480xbf16>
    %convert_element_type3A_5 = arith.extf %convert_element_type3A : vector<256x480xbf16> to vector<256x480xf32>
    %convert_element_type3A_6 = arith.truncf %get3A_4 : vector<480x32xf32> to vector<480x32xbf16>
    %convert_element_type3A_7 = arith.extf %convert_element_type3A_6 : vector<480x32xbf16> to vector<480x32xf32>
    %dot_general3A = arith.constant dense<0.000000e+00> : vector<256x32xf32>
    %dot_general3A_8 = tpu.matmul %convert_element_type3A_5, %convert_element_type3A_7, %dot_general3A {dimension_numbers = #tpu.dot_dimension_numbers<[1], [0], [0], [1], [0, 0, 1, 1], [], []>, precision = #tpu.contract_precision<fp32>, transpose_lhs_hint = false} : vector<256x480xf32>, vector<480x32xf32>, vector<256x32xf32> -> vector<256x32xf32>
    %get3A_9 = arith.constant 0 : index
    %get3A_10 = arith.constant 0 : index
    %get3A_11 = vector.load %arg3[%get3A_9, %get3A_10] : memref<32x128xf32, #tpu.memory_space<vmem>>, vector<32x128xf32>
    %convert_element_type3A_12 = arith.truncf %dot_general3A_8 : vector<256x32xf32> to vector<256x32xbf16>
    %convert_element_type3A_13 = arith.extf %convert_element_type3A_12 : vector<256x32xbf16> to vector<256x32xf32>
    %convert_element_type3A_14 = arith.truncf %get3A_11 : vector<32x128xf32> to vector<32x128xbf16>
    %convert_element_type3A_15 = arith.extf %convert_element_type3A_14 : vector<32x128xbf16> to vector<32x128xf32>
    %dot_general3A_16 = arith.constant dense<0.000000e+00> : vector<256x128xf32>
    %dot_general3A_17 = tpu.matmul %convert_element_type3A_13, %convert_element_type3A_15, %dot_general3A_16 {dimension_numbers = #tpu.dot_dimension_numbers<[1], [0], [0], [1], [0, 0, 1, 1], [], []>, precision = #tpu.contract_precision<fp32>, transpose_lhs_hint = false} : vector<256x32xf32>, vector<32x128xf32>, vector<256x128xf32> -> vector<256x128xf32>
    %get3A_18 = arith.constant 0 : index
    %get3A_19 = arith.constant 0 : index
    %get3A_20 = vector.load %arg4[%get3A_18, %get3A_19] : memref<1x128xf32, #tpu.memory_space<vmem>>, vector<1x128xf32>
    %get3A_21 = vector.shape_cast %get3A_20 : vector<1x128xf32> to vector<128xf32>
    %broadcast_in_dim3A = vector.shape_cast %get3A_21 : vector<128xf32> to vector<1x128xf32>
    %add3A = vector.broadcast %broadcast_in_dim3A : vector<1x128xf32> to vector<256x128xf32>
    %add3A_22 = arith.addf %dot_general3A_17, %add3A : vector<256x128xf32>
    %swap3A = arith.constant 0 : index
    %swap3A_23 = arith.constant 0 : index
    %swap3A_24 = vector.load %arg5[%swap3A, %swap3A_23] : memref<256x128xf32, #tpu.memory_space<vmem>>, vector<256x128xf32>
    tpu.vector_store %arg5[%swap3A, %swap3A_23], %add3A_22 {strides = array<i32>} : memref<256x128xf32, #tpu.memory_space<vmem>>, vector<256x128xf32>,
    %mul3A = arith.constant 256 : i32
    %mul3A_25 = arith.muli %arg0, %mul3A : i32
    %iota3A = tpu.iota {dimensions = array<i32: 0>} : vector<256x1xi32>
    %add3A_26 = vector.broadcast %mul3A_25 : i32 to vector<256x1xi32>
    %add3A_27 = arith.addi %add3A_26, %iota3A : vector<256x1xi32>
    %lt3A = arith.constant 50000 : i32
    %lt3A_28 = vector.broadcast %lt3A : i32 to vector<256x1xi32>
    %lt3A_29 = arith.cmpi slt, %add3A_27, %lt3A_28 : vector<256x1xi32>
    %jit3A = arith.constant 0.000000e+00 : f32
    %broadcast_in_dim3A_30 = vector.shape_cast %lt3A_29 : vector<256x1xi1> to vector<256x1xi1>
    %broadcast_in_dim3A_31 = vector.broadcast %broadcast_in_dim3A_30 : vector<256x1xi1> to vector<256x128xi1>
    %broadcast_in_dim3A_32 = vector.broadcast %jit3A : f32 to vector<256x128xf32>
    %select_n3A = arith.select %broadcast_in_dim3A_31, %add3A_22, %broadcast_in_dim3A_32 : vector<256x128xi1>, vector<256x128xf32>
    %reduce_sum3A = arith.constant dense<0.000000e+00> : vector<128xf32>
    %reduce_sum3A_33 = vector.multi_reduction <add>, %select_n3A, %reduce_sum3A [0] : vector<256x128xf32> to vector<128xf32>
    %broadcast_in_dim3A_34 = vector.shape_cast %reduce_sum3A_33 : vector<128xf32> to vector<1x128xf32>
    %mul3A_35 = arith.mulf %select_n3A, %select_n3A : vector<256x128xf32>
    %reduce_sum3A_36 = arith.constant dense<0.000000e+00> : vector<128xf32>
    %reduce_sum3A_37 = vector.multi_reduction <add>, %mul3A_35, %reduce_sum3A_36 [0] : vector<256x128xf32> to vector<128xf32>
    %broadcast_in_dim3A_38 = vector.shape_cast %reduce_sum3A_37 : vector<128xf32> to vector<1x128xf32>
    %broadcast_in_dim3A_39 = arith.constant 0.000000e+00 : f32
    %broadcast_in_dim3A_40 = vector.broadcast %broadcast_in_dim3A_39 : f32 to vector<6x128xf32>
    %concatenate3A = tpu.concatenate %broadcast_in_dim3A_34, %broadcast_in_dim3A_38, %broadcast_in_dim3A_40 in 0 : vector<1x128xf32>, vector<1x128xf32>, vector<6x128xf32> -> vector<8x128xf32>
    %broadcast_in_dim3A_41 = vector.shape_cast %concatenate3A : vector<8x128xf32> to vector<1x8x128xf32>
    %swap3A_42 = arith.constant 0 : index
    %swap3A_43 = arith.constant 0 : index
    %swap3A_44 = arith.constant 0 : index
    %swap3A_45 = vector.load %arg6[%swap3A_42, %swap3A_43, %swap3A_44] : memref<1x8x128xf32, #tpu.memory_space<vmem>>, vector<1x8x128xf32>
    tpu.vector_store %arg6[%swap3A_42, %swap3A_43, %swap3A_44], %broadcast_in_dim3A_41 {strides = array<i32>} : memref<1x8x128xf32, #tpu.memory_space<vmem>>, vector<1x8x128xf32>,
    return
  }
  func.func @transform_0(%arg0: i32) -> (i32, i32) {
    %c0_i32 = arith.constant 0 : i32
    %c0_i32_0 = arith.constant 0 : i32
    return %arg0, %c0_i32 : i32, i32
  }
  func.func @transform_1(%arg0: i32) -> (i32, i32) {
    %c0_i32 = arith.constant 0 : i32
    %c0_i32_0 = arith.constant 0 : i32
    %c0_i32_1 = arith.constant 0 : i32
    return %c0_i32, %c0_i32_0 : i32, i32
  }
  func.func @transform_2(%arg0: i32) -> (i32, i32) {
    %c0_i32 = arith.constant 0 : i32
    %c0_i32_0 = arith.constant 0 : i32
    %c0_i32_1 = arith.constant 0 : i32
    return %c0_i32, %c0_i32_0 : i32, i32
  }
  func.func @transform_3(%arg0: i32) -> (i32, i32) {
    %c0_i32 = arith.constant 0 : i32
    %c0_i32_0 = arith.constant 0 : i32
    %c0_i32_1 = arith.constant 0 : i32
    return %c0_i32, %c0_i32_0 : i32, i32
  }
  func.func @transform_4(%arg0: i32) -> (i32, i32) {
    %c0_i32 = arith.constant 0 : i32
    %c0_i32_0 = arith.constant 0 : i32
    return %arg0, %c0_i32 : i32, i32
  }
  func.func @transform_5(%arg0: i32) -> (i32, i32, i32) {
    %c0_i32 = arith.constant 0 : i32
    %c0_i32_0 = arith.constant 0 : i32
    %c0_i32_1 = arith.constant 0 : i32
    return %arg0, %c0_i32, %c0_i32_0 : i32, i32, i32
  }
}

module attributes {stable_mosaic.version = 14 : i64} {
  func.func @_resid_body(%arg0: i32, %arg1: memref<256x128xf32, #tpu.memory_space<vmem>>, %arg2: memref<256x128xf32, #tpu.memory_space<vmem>>, %arg3: memref<1x128xf32, #tpu.memory_space<vmem>>, %arg4: memref<1x128xf32, #tpu.memory_space<vmem>>, %arg5: memref<256x128xf32, #tpu.memory_space<vmem>>) attributes {dimension_semantics = [#tpu.dimension_semantics<arbitrary>], iteration_bounds = array<i64: 198>, scalar_prefetch = 0 : i64, scratch_operands = 0 : i64, tpu.core_type = #tpu.core_type<tc>, window_params = [{transform_indices = @transform_0, window_bounds = array<i64: 256, 128>}, {transform_indices = @transform_1, window_bounds = array<i64: 256, 128>}, {pipeline_mode = #tpu.pipeline_mode<synchronous>, transform_indices = @transform_2, window_bounds = array<i64: 1, 128>}, {pipeline_mode = #tpu.pipeline_mode<synchronous>, transform_indices = @transform_3, window_bounds = array<i64: 1, 128>}, {transform_indices = @transform_4, window_bounds = array<i64: 256, 128>}]} {
    %get3A = arith.constant 0 : index
    %get3A_0 = arith.constant 0 : index
    %get3A_1 = vector.load %arg1[%get3A, %get3A_0] : memref<256x128xf32, #tpu.memory_space<vmem>>, vector<256x128xf32>
    %get3A_2 = arith.constant 0 : index
    %get3A_3 = arith.constant 0 : index
    %get3A_4 = vector.load %arg2[%get3A_2, %get3A_3] : memref<256x128xf32, #tpu.memory_space<vmem>>, vector<256x128xf32>
    %get3A_5 = arith.constant 0 : index
    %get3A_6 = arith.constant 0 : index
    %get3A_7 = vector.load %arg3[%get3A_5, %get3A_6] : memref<1x128xf32, #tpu.memory_space<vmem>>, vector<1x128xf32>
    %get3A_8 = vector.shape_cast %get3A_7 : vector<1x128xf32> to vector<128xf32>
    %broadcast_in_dim3A = vector.shape_cast %get3A_8 : vector<128xf32> to vector<1x128xf32>
    %mul3A = vector.broadcast %broadcast_in_dim3A : vector<1x128xf32> to vector<256x128xf32>
    %mul3A_9 = arith.mulf %get3A_4, %mul3A : vector<256x128xf32>
    %get3A_10 = arith.constant 0 : index
    %get3A_11 = arith.constant 0 : index
    %get3A_12 = vector.load %arg4[%get3A_10, %get3A_11] : memref<1x128xf32, #tpu.memory_space<vmem>>, vector<1x128xf32>
    %get3A_13 = vector.shape_cast %get3A_12 : vector<1x128xf32> to vector<128xf32>
    %broadcast_in_dim3A_14 = vector.shape_cast %get3A_13 : vector<128xf32> to vector<1x128xf32>
    %add3A = vector.broadcast %broadcast_in_dim3A_14 : vector<1x128xf32> to vector<256x128xf32>
    %add3A_15 = arith.addf %mul3A_9, %add3A : vector<256x128xf32>
    %ge3A = arith.constant 0.000000e+00 : f32
    %ge3A_16 = vector.broadcast %ge3A : f32 to vector<256x128xf32>
    %ge3A_17 = arith.cmpf oge, %add3A_15, %ge3A_16 : vector<256x128xf32>
    %mul3A_18 = arith.constant 0.00999999977 : f32
    %mul3A_19 = vector.broadcast %mul3A_18 : f32 to vector<256x128xf32>
    %mul3A_20 = arith.mulf %mul3A_19, %add3A_15 : vector<256x128xf32>
    %select_n3A = arith.select %ge3A_17, %add3A_15, %mul3A_20 : vector<256x128xi1>, vector<256x128xf32>
    %add3A_21 = arith.addf %get3A_1, %select_n3A : vector<256x128xf32>
    %swap3A = arith.constant 0 : index
    %swap3A_22 = arith.constant 0 : index
    %swap3A_23 = vector.load %arg5[%swap3A, %swap3A_22] : memref<256x128xf32, #tpu.memory_space<vmem>>, vector<256x128xf32>
    tpu.vector_store %arg5[%swap3A, %swap3A_22], %add3A_21 {strides = array<i32>} : memref<256x128xf32, #tpu.memory_space<vmem>>, vector<256x128xf32>,
    return
  }
  func.func @transform_0(%arg0: i32) -> (i32, i32) {
    %c0_i32 = arith.constant 0 : i32
    %c0_i32_0 = arith.constant 0 : i32
    return %arg0, %c0_i32 : i32, i32
  }
  func.func @transform_1(%arg0: i32) -> (i32, i32) {
    %c0_i32 = arith.constant 0 : i32
    %c0_i32_0 = arith.constant 0 : i32
    return %arg0, %c0_i32 : i32, i32
  }
  func.func @transform_2(%arg0: i32) -> (i32, i32) {
    %c0_i32 = arith.constant 0 : i32
    %c0_i32_0 = arith.constant 0 : i32
    %c0_i32_1 = arith.constant 0 : i32
    return %c0_i32, %c0_i32_0 : i32, i32
  }
  func.func @transform_3(%arg0: i32) -> (i32, i32) {
    %c0_i32 = arith.constant 0 : i32
    %c0_i32_0 = arith.constant 0 : i32
    %c0_i32_1 = arith.constant 0 : i32
    return %c0_i32, %c0_i32_0 : i32, i32
  }
  func.func @transform_4(%arg0: i32) -> (i32, i32) {
    %c0_i32 = arith.constant 0 : i32
    %c0_i32_0 = arith.constant 0 : i32
    return %arg0, %c0_i32 : i32, i32
  }
}

</mosaic_0001>

<sc_bundles>
// kernel: kernel.7.cloned.1.call-start
scs
__scs_entry_jumppad:
0x0: {  	(pc) =	sbr.rel $0x88, $3  }
0x1: {  	(tag) =	ssettag $0x0;
	lr =	simm.s32 $0x1  }
0x2: {  	[smem:$0x3F94] =	sst lr;
	_ =	strace $0xD0000000  }
0x3: {  	_ = 	snop  }
0x4: {  	_ = 	snop  }
0x5: {  	_ = 	snop  }
0x6: {  	_ = 	snop  }
0x7: {  	_ = 	snop  }
__scs_overlays_trampoline_lowered:
0x8: {  	[smem:$0x3FA3] =	sst s0  }
0x9: {  	[smem:$0x3FA4] =	sst s1  }
0xa: {  	[smem:$0x3FA5] =	sst s2  }
0xb: {  	[smem:$0x3FA6] =	sst s3  }
0xc: {  	[smem:$0x3FA7] =	sst s4  }
0xd: {  	[smem:$0x3FA8] =	sst s5  }
0xe: {  	[smem:$0x3FA9] =	sst s6  }
0xf: {  	[smem:$0x3FAA] =	sst s7  }
0x10: {  	[smem:$0x3FAB] =	sst s8  }
0x11: {  	[smem:$0x3FAC] =	sst s9;
	s0 =	simm.s32 @!p0 $0x0  }
0x12: {  	s1 =	sld [smem:$0x3F92];
	s0 =	simm.s32 @p0 $0x1  }
0x13: {  	[smem:$0x3FAD] =	sst s0;
	s0 =	simm.s32 @!p1 $0x0  }
0x14: {  	s2 =	sld [smem:$0x3F91];
	s0 =	simm.s32 @p1 $0x1  }
0x15: {  	[smem:$0x3FAE] =	sst s0;
	s0 =	simm.s32 @!p2 $0x0  }
0x16: {  	s3 =	sld [smem:$0x3FDB];
	s0 =	simm.s32 @p2 $0x1  }
0x17: {  	s4 =	simm.s32 $0x1BF5;
	[smem:$0x3FB0] =	sst s0  }
0x18: {  	s0 =	sld [smem:$0x3F93];
	_ =	swait.ge [sflag:s4], $0x0  }
0x19: {  	s7 =	sld [smem:$0x3F94]  }
0x1a: {  	s8 =	sadd.s32 $0xFFFFE003, lr  }
0x1b: {  	s9 =	sadd.s32 $0xFFFFFEF7, lr;
	s5 =	simm.s32 $0xFFFFFFFF;
	p2 =	slt.u32 s8, $0xFFFFF086  }
0x1c: {  	p1 =	slt.u32 s9, $0xF7A;
	s5 =	simm.s32 @!p2 $0x0  }
0x1d: {  	s5 =	simm.s32 @p1 $0x1;
	p0 =	seq.s32 s7, s2  }
0x1e: {  	s7 =	smul.u32 @!p0 $0xF7A, s2;
	p2 =	seq.s32 @!p0 s5, $0x0  }
0x1f: {  	s9 =	smul.u32 $0xF7A, s1;
	s8 =	simm.s32 @!p0 $0x1BF5;
	p2 =	por !p2, p0  }
0x20: {  	[sflag:s8] =	ssyncset.s32 @!p0 $0xFFFFF086;
	s6 =	sadd.s32 @!p0 s3, s7;
	s7 =	simm.s32 @!p0 $0x108  }
0x21: {  	s3 =	sadd.s32 s3, s9;
	s6 =	sadd.s32 @!p0 $0x88, s6;
	s7 =	simm.s32 @p2 $0x1082  }
0x22: {  	[simem:s7], [sflag:s8] =	dma.local @!p0 [hbm:s6], $0xF7A  }
0x23: {  	s9 =	sor.u32 $0xD0000000, s2;
	s6 =	simm.s32 $0x108;
	_ =	swait.ge @!p0 [sflag:s8], $0x0  }
0x24: {  	s3 =	sadd.s32 $0x88, s3;
	s6 =	simm.s32 @!p1 $0x1082;
	[sflag:s4] =	ssyncset.s32 $0xFFFFF086  }
0x25: {  	[simem:s6], [sflag:s4] =	dma.local [hbm:s3], $0xF7A  }
0x26: {  	[smem:$0x3F94] =	sst s1;
	(tag) =	ssettag s2;
	_ =	strace s9  }
0x27: {  	s1 =	sld [smem:$0x3FA4]  }
0x28: {  	s2 =	sld [smem:$0x3FA5]  }
0x29: {  	s4 =	sld [smem:$0x3FA7]  }
0x2a: {  	p0 =	seq.s32 s5, $0x0;
	s5 =	sld [smem:$0x3FA8]  }
0x2b: {  	s6 =	sld [smem:$0x3FA9]  }
0x2c: {  	s7 =	sld [smem:$0x3FAA]  }
0x2d: {  	s3 =	simm.s32 $0x108;
	s8 =	sld [smem:$0x3FAB]  }
0x2e: {  	s3 =	simm.s32 @!p0 $0x1082;
	s9 =	sld [smem:$0x3FAC]  }
0x2f: {  	lr =	sadd.s32 s0, s3;
	s0 =	sld [smem:$0x3FA3]  }
0x30: {  	s3 =	sld [smem:$0x3FA6]  }
0x31: {  	[smem:$0x3FAF] =	sst s10  }
0x32: {  	s10 =	sld [smem:$0x3FAD];
	_ =	sdelay $0x3  }
0x33: {  	p0 =	seq.s32 s10, $0x1;
	s10 =	sld [smem:$0x3FAF];
	_ =	sdelay $0x3  }
0x34: {  	[smem:$0x3FAF] =	sst s10  }
0x35: {  	s10 =	sld [smem:$0x3FAE];
	_ =	sdelay $0x3  }
0x36: {  	p1 =	seq.s32 s10, $0x1;
	s10 =	sld [smem:$0x3FAF];
	_ =	sdelay $0x3  }
0x37: {  	[smem:$0x3FAF] =	sst s10  }
0x38: {  	s10 =	sld [smem:$0x3FB0]  }
0x39: {  	_ = 	snop;
	(pc) =	sbr.ind lr, $3  }
0x3a: {  	_ = 	snop  }
0x3b: {  	_ = 	snop  }
0x3c: {  	p2 =	seq.s32 s10, $0x1;
	s10 =	sld [smem:$0x3FAF]  }
0x3d: {  	_ =	shalt  }
0x3e: {  	_ =	shalt  }
0x3f: {  	_ =	shalt  }
0x40: {  	_ =	shalt  }
0x41: {  	_ =	shalt  }
0x42: {  	_ =	shalt  }
0x43: {  	_ =	shalt  }
0x44: {  	_ =	shalt  }
0x45: {  	_ =	shalt  }
0x46: {  	_ =	shalt  }
0x47: {  	_ =	shalt  }
0x48: {  	_ =	shalt  }
0x49: {  	_ =	shalt  }
0x4a: {  	_ =	shalt  }
0x4b: {  	_ =	shalt  }
0x4c: {  	_ =	shalt  }
0x4d: {  	_ =	shalt  }
0x4e: {  	_ =	shalt  }
0x4f: {  	_ =	shalt  }
0x50: {  	_ =	shalt  }
0x51: {  	_ =	shalt  }
0x52: {  	_ =	shalt  }
0x53: {  	_ =	shalt  }
0x54: {  	_ =	shalt  }
0x55: {  	_ =	shalt  }
0x56: {  	_ =	shalt  }
0x57: {  	_ =	shalt  }
0x58: {  	_ =	shalt  }
0x59: {  	_ =	shalt  }
0x5a: {  	_ =	shalt  }
0x5b: {  	_ =	shalt  }
0x5c: {  	_ =	shalt  }
0x5d: {  	_ =	shalt  }
0x5e: {  	_ =	shalt  }
0x5f: {  	_ =	shalt  }
0x60: {  	_ =	shalt  }
0x61: {  	_ =	shalt  }
0x62: {  	_ =	shalt  }
0x63: {  	_ =	shalt  }
0x64: {  	_ =	shalt  }
0x65: {  	_ =	shalt  }
0x66: {  	_ =	shalt  }
0x67: {  	_ =	shalt  }
0x68: {  	_ =	shalt  }
0x69: {  	_ =	shalt  }
0x6a: {  	_ =	shalt  }
0x6b: {  	_ =	shalt  }
0x6c: {  	_ =	shalt  }
0x6d: {  	_ =	shalt  }
0x6e: {  	_ =	shalt  }
0x6f: {  	_ =	shalt  }
0x70: {  	_ =	shalt  }
0x71: {  	_ =	shalt  }
0x72: {  	_ =	shalt  }
0x73: {  	_ =	shalt  }
0x74: {  	_ =	shalt  }
0x75: {  	_ =	shalt  }
0x76: {  	_ =	shalt  }
0x77: {  	_ =	shalt  }
0x78: {  	_ =	shalt  }
0x79: {  	_ =	shalt  }
0x7a: {  	_ =	shalt  }
0x7b: {  	_ =	shalt  }
0x7c: {  	_ =	shalt  }
0x7d: {  	_ =	shalt  }
0x7e: {  	_ =	shalt  }
0x7f: {  	_ =	shalt  }
0x80: {  	_ =	shalt  }
0x81: {  	_ =	shalt  }
0x82: {  	_ =	shalt  }
0x83: {  	_ =	shalt  }
0x84: {  	_ =	shalt  }
0x85: {  	_ =	shalt  }
0x86: {  	_ =	shalt  }
0x87: {  	_ =	shalt  }
.Lfunc_end0:
.L_simem_size_0:
called_computation_lowered:
.L_overlay_start_0:
0x88: {  	s2 =	sld [smem:$0x3FD9]  }
0x89: {  	s3 =	sld [smem:$0x3FFE];
	_ =	sdelay $0x1  }
0x8a: {  	s1 =	srdreg.scid  }
0x8b: {  	s0 =	sand.u32 $0x1, s1  }
0x8c: {  	s17 =	sshll.u32 s0, $0xA;
	s2 =	sadd.s32 s3, s2  }
0x8d: {  	s2 =	sadd.s32 s2, s17  }
0x8e: {  	[smem:$0x3FBB] =	sst s2  }
0x8f: {  	_ = 	snop  }
0x90: {  	s2 =	sld [smem:$0x3FD0];
	(tm) =	ssettm $0x1  }
0x91: {  	s18 =	sld [smem:$0x3FFB];
	_ =	sdelay $0x3  }
0x92: {  	_ =	strace s18  }
0x93: {  	s3 =	sld [smem:$0x3FFC];
	_ =	sdelay $0x3  }
0x94: {  	_ =	strace s3  }
0x95: {  	s3 =	sld [smem:$0x3FFD];
	_ =	sdelay $0x3  }
0x96: {  	_ =	strace s3  }
0x97: {  	_ =	strace $0x8FFFFFFF  }
0x98: {  	s19 =	sld [smem:$0x3FDB];
	_ =	sdelay $0x1  }
0x99: {  	s4 =	simm.s32 $_scs_section_size  }
0x9a: {  	s5 =	simm.s32 $_size__tile_overlayer_lowered;
	s6 =	simm.s32 $_tile_overlayer_lowered  }
0x9b: {  	s22 =	simm.s32 $0x1BFF;
	s21 =	sshll.u32 s6, $0x1;
	s3 =	sadd.s32 s4, s19  }
0x9c: {  	s7 =	simm.s32 $0x0;
	s20 =	sshll.u32 s5, $0x1;
	s5 =	sadd.s32 s21, s3  }
0x9d: {  	[timem:s7], [sflag:s22] =	dma.local [hbm:s5], s20  }
0x9e: {  	_ =	swait.ge [sflag:s22], s20  }
0x9f: {  	s4 =	ssub.s32 $0x0, s20;
	[sflag:s22] =	ssyncset.done $0x0  }
0xa0: {  	[sflag:s22] =	ssyncadd.s32 s4;
	_ =	sdelay $0x1  }
0xa1: {  	s23 =	simm.s32 $0x1B8B  }
0xa2: {  	_ =	swait.ge [sflag:s23], $0x1  }
0xa3: {  	[sflag:s23] =	ssyncset.done $0x0  }
0xa4: {  	s25 =	simm.s32 $0x1B8E;
	s24 =	sld [smem:$0x3FFE];
	[sflag:s23] =	ssyncadd.s32 $0xFFFFFFFF  }
0xa5: {  	s26 =	simm.s32 $execute0_lowered;
	[smem:$0x3FD2] =	sst s25  }
0xa6: {  	s5 =	sshll.u32 s26, $0x1;
	_ =	strace $0x80000046;
	[dreg:$0x1] =	wrdreg $0xFFFFFFFF  }
0xa7: {  	s28 =	simm.s32 $_size_execute0_lowered;
	s3 =	sadd.s32 s3, s5;
	[dreg:$0x0] =	wrdreg $0x0  }
0xa8: {  	s5 =	sshll.u32 s28, $0x1;
	[dreg:$0x2] =	wrdreg s3  }
0xa9: {  	[dreg:$0x3] =	wrdreg s5  }
0xaa: {  	[dreg:$0x4] =	wrdreg $0xC0  }
0xab: {  	_ =	task [dreg:s7], $0x5FFFF  }
0xac: {  	[dreg:$0x1] =	wrdreg $0xFFFFFFFF  }
0xad: {  	[dreg:$0x0] =	wrdreg $0x60  }
0xae: {  	[dreg:$0x2] =	wrdreg s2  }
0xaf: {  	[dreg:$0x3] =	wrdreg s24  }
0xb0: {  	[dreg:$0x4] =	wrdreg $0x9  }
0xb1: {  	_ =	task.clear_ibuf [dreg:s7], $0x5FFFF;
	_ =	strace $0x90000046  }
0xb2: {  	s29 =	simm.s32 $0x9;
	_ =	strace $0x80000048  }
0xb3: {  	_ =	swait.ge [sflag:s29], $0x1  }
0xb4: {  	[sflag:s29] =	ssyncadd.s32 $0xFFFFFFFF  }
0xb5: {  	_ =	strace $0x90000048  }
0xb6: {  	_ =	sfence  }
0xb7: {  	s30 =	sld [smem:$0x0];
	_ =	sdelay $0x2  }
0xb8: {  	s31 =	sshll.u32 s1, $0xD;
	s1 =	sshrl.u32 s1, $0x2  }
0xb9: {  	s3 =	sand.u32 $0x4000, s31;
	s1 =	sadd.s32 s1, s30  }
0xba: {  	s0 =	sor.u32 s3, s0;
	s1 =	sshll.u32 s1, $0x11  }
0xbb: {  	s0 =	sor.u32 s1, s0  }
0xbc: {  	s0 =	sadd.s32 $0x8F2B, s0  }
0xbd: {  	[sflag:s0] =	ssyncadd.remote.s32 $0x1  }
0xbe: {  	_ =	sfence.sel $0xFFFF  }
0xbf: {  	[dreg:$0x0] =	wrdreg $0xFFFFFFFF;
	(pc) =	sbr.abs _section_cstart, $3  }
0xc0: {  	[dreg:$0x1] =	wrdreg $0xFFFFFFFF  }
0xc1: {  	_ =	task.clear_ibuf [dreg:s7], $0x2FFFF;
	_ =	strace $0x9FFFFFFF  }
0xc2: {  	(tm) =	ssettm $0x7FFFFFFF  }
0xc3: {  	_ =	shalt  }
tec
execute0_lowered:
.L_overlay_start_1:
0x0: {  	(tag) =	ssettag $0x1  }
0x1: {  	s1 =	rddreg [dreg:$0x0]  }
0x2: {  	s0 =	rddreg [dreg:$0x1]  }
0x3: {  	s2 =	simm.s32 $0x0;
	s25 =	srdreg.scid;
	s3 =	stileid.u32  }
0x4: {  	s11 =	simm.s32 $0x2;
	s12 =	simm.s32 $0x78;
	s16 =	simm.s32 $0x168  }
0x5: {  	s17 =	simm.s32 $0x4740;
	s18 =	simm.s32 $0x1E0;
	s19 =	simm.s32 $0x5DC0  }
0x6: {  	s20 =	simm.s32 $0x258;
	s21 =	simm.s32 $0x7440;
	s22 =	simm.s32 $0x2D0  }
0x7: {  	s23 =	simm.s32 $0x8AC0;
	s24 =	simm.s32 $0x348;
	s28 =	simm.s32 $0x1  }
0x8: {  	s29 =	simm.s32 $0xBC40;
	[smem:$0x7FF] =	sst s2;
	s2 =	sand.u32 $0x1, s25  }
0x9: {  	s3 =	sshll.u32 s3, $0x1;
	s4 =	sadd.s32 $0xC6400, s0;
	s26 =	sadd.s32 $0x200, s0  }
.Ltmp0:
0xa: {  	s7 =	sadd.s32 $0x1CA200, s0;
	s5 =	ssub.s32 $0x2, s2;
	(pc) =	sbr.rel .LBB2_1-.Ltmp0, $4  }
0xb: {  	s25 =	simm.s32 $0xA140;
	_ =	strace $0x80000047;
	s30 =	sshrl.u32 s5, $0x1  }
0xc: {  	s2 =	sor.u32 s2, s3;
	[dreg:$0x3] =	wrdreg s26;
	s31 =	ssub.s32 s5, s30  }
0xd: {  	s26 =	simm.s32 $0xB7C0;
	s6 =	smul.u32 $0x630, s2;
	s0 =	smax.u32 s31, $0x1  }
0xe: {  	v0 =	vimm.f32 $0.0e+00;
	s8 =	smul.u32 $0x210, s2;
	s2 =	simm.s32 $0x0;
	[dreg:$0x4] =	wrdreg s0  }
.LBB2_9:
0xf: {  	s2 =	rddreg [dreg:$0x5]  }
0x10: {  	s0 =	rddreg [dreg:$0x4];
	s2 =	sadd.s32 $0x1, s2  }
0x11: {  	p0 =	sne.s32 s2, s0  }
.Ltmp1:
0x12: {  	_ = 	snop;
	(pc) =	sbr.rel @!p0 .LBB2_10-.Ltmp1, $1  }
0x13: {  	_ =	sdelay $0x3  }
.LBB2_1:
0x14: {  	[dreg:$0x5] =	wrdreg s2  }
0x15: {  	s0 =	simm.s32 $0x0;
	s30 =	rddreg [dreg:$0x3];
	s3 =	simm.s32 $0xE940  }
0x16: {  	[tilespmem:s3], [sflag:$0x2] =	stream.linear.gather [hbm4b:s30+s0], $0x80, $0x38;
	[tilespmem:$0xE9C0] =	vst v63  }
0x17: {  	_ =	swait.ge [sflag:s11], $0x80  }
0x18: {  	[sflag:s11] =	ssyncset.done $0x0  }
0x19: {  	[sflag:s11] =	ssyncadd.s32 $0xFFFFFF80  }
0x1a: {  	v1 =	vld [tilespmem:$0xE980];
	_ =	sdelay $0x4  }
0x1b: {  	(v2sf) =	vpush v1, $0x0;
	_ =	sdelay $0xa  }
.Ltmp2:
0x1c: {  	_ = 	snop;
	(pc) =	sbr.rel .LBB2_2-.Ltmp2, $4  }
0x1d: {  	v2 =	vld [tilespmem:$0xE950]  }
0x1e: {  	v3 =	vld [tilespmem:$0xE960]  }
0x1f: {  	v4 =	vld [tilespmem:$0xE970]  }
0x20: {  	s0 =	simm.s32 $0x0;
	v1 =	vld [tilespmem:$0xE940];
	s31 =	spop (v2sf)  }
.LBB2_8:
0x21: {  	s2 =	smul.u32 $0x3C, s5;
	s0 =	sadd.s32 $0x1, s0  }
0x22: {  	p0 =	sne.s32 s0, $0x42  }
.Ltmp3:
0x23: {  	s3 =	simm.s32 $0x0;
	s2 =	sadd.s32 s7, s2;
	(pc) =	sbr.rel @!p0 .LBB2_9-.Ltmp3, $4  }
0x24: {  	[hbm4b:s2+s3] =	stream.linear.scatter [tilespmem:s29], [sflag:$0x2], $0x2D00, $0x38;
	[tilespmem:$0xE9C0] =	vst v63  }
0x25: {  	_ =	swait.ge [sflag:s11], $0x2D00  }
0x26: {  	[sflag:s11] =	ssyncset.done $0x0  }
0x27: {  	[sflag:s11] =	ssyncadd.s32 $0xFFFFD300  }
.LBB2_2:
0x28: {  	s2 =	sshll.u32 s0, $0x3  }
0x29: {  	s2 =	sadd.s32 s8, s2  }
0x2a: {  	s2 =	smul.u32 $0xF, s2;
	_ =	sdelay $0x1  }
0x2b: {  	s3 =	sadd.s32 s4, s2;
	s2 =	simm.s32 $0x0  }
0x2c: {  	[tilespmem:s2], [sflag:$0x2] =	stream.linear.gather [hbm4b:s3+s2], $0x3C0, $0x38;
	[tilespmem:$0xE9C0] =	vst v63  }
0x2d: {  	_ =	swait.ge [sflag:s11], $0x3C0  }
0x2e: {  	[sflag:s11] =	ssyncset.done $0x0  }
0x2f: {  	s10 =	simm.s32 $0x3C0;
	[sflag:s11] =	ssyncadd.s32 $0xFFFFFC40  }
0x30: {  	[tilespmem:s10], [sflag:$0x1] =	stream.indirect.gather [hbm4b:s1+s12], $0x30, s2, s12, $0xb8;
	[tilespmem:$0xE9C0] =	vst v63  }
0x31: {  	s14 =	simm.s32 $0x1A40  }
0x32: {  	[tilespmem:s14], [sflag:$0x1] =	stream.indirect.gather [hbm4b:s1+s12], $0x30, s12, s12, $0xb8;
	[tilespmem:$0xE9C0] =	vst v63  }
0x33: {  	s15 =	simm.s32 $0xF0;
	s5 =	simm.s32 $0x30C0  }
0x34: {  	[tilespmem:s5], [sflag:$0x1] =	stream.indirect.gather [hbm4b:s1+s12], $0x30, s15, s12, $0xb8;
	[tilespmem:$0xE9C0] =	vst v63  }
0x35: {  	_ = 	snop  }
0x36: {  	[tilespmem:s17], [sflag:$0x1] =	stream.indirect.gather [hbm4b:s1+s12], $0x30, s16, s12, $0xb8;
	[tilespmem:$0xE9C0] =	vst v63  }
0x37: {  	_ = 	snop  }
0x38: {  	[tilespmem:s19], [sflag:$0x1] =	stream.indirect.gather [hbm4b:s1+s12], $0x30, s18, s12, $0xb8;
	[tilespmem:$0xE9C0] =	vst v63  }
0x39: {  	s30 =	smul.u32 $0x18, s0  }
0x3a: {  	[tilespmem:s21], [sflag:$0x1] =	stream.indirect.gather [hbm4b:s1+s12], $0x30, s20, s12, $0xb8;
	[tilespmem:$0xE9C0] =	vst v63  }
0x3b: {  	s5 =	sadd.s32 s6, s30  }
0x3c: {  	[tilespmem:s23], [sflag:$0x1] =	stream.indirect.gather [hbm4b:s1+s12], $0x30, s22, s12, $0xb8;
	[tilespmem:$0xE9C0] =	vst v63  }
0x3d: {  	s3 =	smul.u32 $0x6, s5  }
0x3e: {  	[tilespmem:s25], [sflag:$0x1] =	stream.indirect.gather [hbm4b:s1+s12], $0x30, s24, s12, $0xb8;
	[tilespmem:$0xE9C0] =	vst v63  }
0x3f: {  	s3 =	sadd.s32 s1, s3  }
0x40: {  	[tilespmem:s26], [sflag:$0x2] =	stream.linear.gather [hbm4b:s3+s2], $0x480, $0x38;
	[tilespmem:$0xE9C0] =	vst v63  }
0x41: {  	_ =	swait.ge [sflag:s11], $0x480  }
0x42: {  	[sflag:s11] =	ssyncset.done $0x0  }
0x43: {  	[sflag:s11] =	ssyncadd.s32 $0xFFFFFB80  }
0x44: {  	_ =	swait.ge [sflag:s28], $0x1680  }
0x45: {  	[sflag:s28] =	ssyncset.done $0x0  }
0x46: {  	[sflag:s28] =	ssyncadd.s32 $0xFFFFE980  }
0x47: {  	_ =	swait.ge [sflag:s28], $0x1680  }
0x48: {  	[sflag:s28] =	ssyncset.done $0x0  }
0x49: {  	[sflag:s28] =	ssyncadd.s32 $0xFFFFE980  }
0x4a: {  	_ =	swait.ge [sflag:s28], $0x1680  }
0x4b: {  	[sflag:s28] =	ssyncset.done $0x0  }
0x4c: {  	[sflag:s28] =	ssyncadd.s32 $0xFFFFE980  }
0x4d: {  	_ =	swait.ge [sflag:s28], $0x1680  }
0x4e: {  	[sflag:s28] =	ssyncset.done $0x0  }
0x4f: {  	[sflag:s28] =	ssyncadd.s32 $0xFFFFE980  }
0x50: {  	_ =	swait.ge [sflag:s28], $0x1680  }
0x51: {  	[sflag:s28] =	ssyncset.done $0x0  }
0x52: {  	[sflag:s28] =	ssyncadd.s32 $0xFFFFE980  }
0x53: {  	_ =	swait.ge [sflag:s28], $0x1680  }
0x54: {  	[sflag:s28] =	ssyncset.done $0x0  }
0x55: {  	[sflag:s28] =	ssyncadd.s32 $0xFFFFE980  }
0x56: {  	_ =	swait.ge [sflag:s28], $0x1680  }
.Ltmp4:
0x57: {  	[sflag:s28] =	ssyncset.done $0x0;
	(pc) =	sbr.rel .LBB2_3-.Ltmp4, $4  }
0x58: {  	[sflag:s28] =	ssyncadd.s32 $0xFFFFE980  }
0x59: {  	_ =	swait.ge [sflag:s28], $0x1680  }
0x5a: {  	[sflag:s28] =	ssyncset.done $0x0  }
0x5b: {  	[sflag:s28] =	ssyncadd.s32 $0xFFFFE980  }
.LBB2_7:
0x5c: {  	s2 =	sadd.s32 $0x1, s2  }
0x5d: {  	p0 =	sne.s32 s2, $0x18  }
.Ltmp5:
0x5e: {  	_ = 	snop;
	(pc) =	sbr.rel @!p0 .LBB2_8-.Ltmp5, $2  }
0x5f: {  	_ =	sdelay $0x2  }
0x60: {  	s10 =	sadd.s32 $0x780, s10  }
.LBB2_3:
0x61: {  	s3 =	smul.u32 $0xC0, s2  }
0x62: {  	s9 =	smul.u32 $0x780, s2;
	_ =	sdelay $0x1  }
0x63: {  	s3 =	sshra.s32 s3, $0x2;
	s9 =	sshra.s32 s9, $0x2  }
0x64: {  	v5 =	vld [tilespmem:s3+$0xB7E0];
	[tilespmem:s9+$0xBC40] =	vst v0  }
0x65: {  	[tilespmem:s9+$0xBC50] =	vst v0  }
0x66: {  	[tilespmem:s9+$0xBC60] =	vst v0  }
0x67: {  	[tilespmem:s9+$0xBC70] =	vst v0  }
0x68: {  	[tilespmem:s9+$0xBC80] =	vst v0  }
0x69: {  	[tilespmem:s9+$0xBC90] =	vst v0  }
0x6a: {  	[tilespmem:s9+$0xBCA0] =	vst v0  }
0x6b: {  	[tilespmem:s9+$0xBCB0] =	vst v0  }
0x6c: {  	[tilespmem:s9+$0xBCC0] =	vst v0  }
0x6d: {  	[tilespmem:s9+$0xBCD0] =	vst v0  }
0x6e: {  	[tilespmem:s9+$0xBCE0] =	vst v0  }
0x6f: {  	[tilespmem:s9+$0xBCF0] =	vst v0  }
0x70: {  	[tilespmem:s9+$0xBD00] =	vst v0  }
0x71: {  	[tilespmem:s9+$0xBD10] =	vst v0  }
0x72: {  	[tilespmem:s9+$0xBD20] =	vst v0  }
0x73: {  	[tilespmem:s9+$0xBD30] =	vst v0  }
0x74: {  	[tilespmem:s9+$0xBD40] =	vst v0  }
0x75: {  	[tilespmem:s9+$0xBD50] =	vst v0  }
0x76: {  	[tilespmem:s9+$0xBD60] =	vst v0  }
0x77: {  	[tilespmem:s9+$0xBD70] =	vst v0  }
0x78: {  	[tilespmem:s9+$0xBD80] =	vst v0  }
0x79: {  	[tilespmem:s9+$0xBD90] =	vst v0  }
0x7a: {  	[tilespmem:s9+$0xBDA0] =	vst v0  }
0x7b: {  	[tilespmem:s9+$0xBDB0] =	vst v0  }
0x7c: {  	[tilespmem:s9+$0xBDC0] =	vst v0  }
.Ltmp6:
0x7d: {  	[tilespmem:s9+$0xBDD0] =	vst v0;
	(pc) =	sbr.rel .LBB2_4-.Ltmp6, $4  }
0x7e: {  	[tilespmem:s9+$0xBDE0] =	vst v0  }
0x7f: {  	[tilespmem:s9+$0xBDF0] =	vst v0  }
0x80: {  	[tilespmem:s9+$0xBE00] =	vst v0  }
0x81: {  	v6 =	vmov s10;
	s30 =	simm.s32 $0x0;
	[tilespmem:s9+$0xBE10] =	vst v0  }
.LBB2_6:
0x82: {  	s30 =	sadd.s32 $0xC0, s30  }
0x83: {  	p0 =	sne.s32 s30, $0x1980  }
.Ltmp7:
0x84: {  	_ = 	snop;
	(pc) =	sbr.rel @!p0 .LBB2_7-.Ltmp7, $1  }
0x85: {  	_ =	sdelay $0x3  }
.LBB2_4:
0x86: {  	_ =	sdelay $0x2  }
0x87: {  	s3 =	sshra.s32 s30, $0x2  }
0x88: {  	v7 =	vld.idx.msk [tilespmem:v6+s3+$0x20 ss:$0x1], $0xffff;
	_ =	sdelay $0x4  }
0x89: {  	v7 =	vsub.f32 v7, v5;
	_ =	sdelay $0x1  }
0x8a: {  	(v2sf) =	vpush v7, $0x0  }
0x8b: {  	(v2sf) =	vpush v7, $0x1;
	_ =	sdelay $0x1  }
0x8c: {  	(v2sf) =	vpush v7, $0x2;
	_ =	sdelay $0xb  }
0x8d: {  	s13 =	spop (v2sf)  }
0x8e: {  	s14 =	spop (v2sf);
	s13 =	smul.f32 s13, s13  }
0x8f: {  	s14 =	smul.f32 s14, s14  }
0x90: {  	s15 =	spop (v2sf)  }
0x91: {  	s15 =	smul.f32 s15, s15;
	s13 =	sadd.f32 s14, s13  }
0x92: {  	_ = 	snop  }
0x93: {  	s13 =	sadd.f32 s13, s15;
	_ =	sdelay $0x1  }
0x94: {  	p0 =	sle.f32 s13, s31  }
.Ltmp8:
0x95: {  	_ = 	snop;
	(pc) =	sbr.rel @!p0 .LBB2_6-.Ltmp8, $2  }
0x96: {  	_ =	sdelay $0x2  }
0x97: {  	s3 =	sadd.s32 s3, s10  }
0x98: {  	v8 =	vshrl.u32 v7, $0x10  }
0x99: {  	v8 =	vand.u32 $0x1, v8  }
0x9a: {  	v7 =	vadd.s32 v8, v7  }
0x9b: {  	v7 =	vadd.s32 $0x7FFF, v7  }
0x9c: {  	v7 =	vand.u32 $0xFFFF0000, v7  }
0x9d: {  	v8 =	vbroadcast v7, $0x0;
	v9 =	vbroadcast v7, $0x1  }
0x9e: {  	v7 =	vbroadcast v7, $0x2  }
0x9f: {  	v8 =	vmul.f32 v8, v1;
	v9 =	vmul.f32 v9, v2;
	_ =	sdelay $0x1  }
0xa0: {  	v7 =	vmul.f32 v7, v3;
	v8 =	vadd.f32 v9, v8;
	_ =	sdelay $0x1  }
0xa1: {  	v7 =	vadd.f32 v8, v7;
	_ =	sdelay $0x1  }
0xa2: {  	v8 =	vadd.f32 s13, v4;
	v7 =	vadd.f32 v7, v7;
	_ =	sdelay $0x1  }
0xa3: {  	v7 =	vsub.f32 v8, v7;
	_ =	sdelay $0x1  }
0xa4: {  	v7 =	vmax.f32 v7, $0.0e+00  }
0xa5: {  	v8 =	vshra.s32 v7, $0x1;
	v24 =	vmul.f32 $5.000000000e-01, v7  }
0xa6: {  	v8 =	vsub.s32 $0x5F3759DF, v8  }
0xa7: {  	v10 =	vmul.f32 v8, v24;
	_ =	sdelay $0x1  }
0xa8: {  	v10 =	vmul.f32 v8, v10;
	_ =	sdelay $0x1  }
0xa9: {  	v10 =	vsub.f32 $1.500000000e+00, v10;
	_ =	sdelay $0x1  }
0xaa: {  	v8 =	vmul.f32 v8, v10;
	_ =	sdelay $0x1  }
0xab: {  	v10 =	vmul.f32 v8, v24;
	_ =	sdelay $0x1  }
0xac: {  	v10 =	vmul.f32 v10, v8;
	_ =	sdelay $0x1  }
0xad: {  	v10 =	vsub.f32 $1.500000000e+00, v10;
	_ =	sdelay $0x1  }
0xae: {  	v8 =	vmul.f32 v10, v8;
	_ =	sdelay $0x1  }
0xaf: {  	v9 =	vmul.f32 v8, v24;
	_ =	sdelay $0x1  }
0xb0: {  	v9 =	vmul.f32 v9, v8;
	_ =	sdelay $0x1  }
0xb1: {  	v9 =	vsub.f32 $1.500000000e+00, v9;
	_ =	sdelay $0x1  }
0xb2: {  	v8 =	vmul.f32 v9, v8;
	_ =	sdelay $0x1  }
0xb3: {  	v7 =	vmul.f32 v8, v7;
	_ =	sdelay $0x1  }
0xb4: {  	v7 =	vmul.f32 $-2.000000000e+01, v7;
	_ =	sdelay $0x1  }
0xb5: {  	v7 =	vadd.f32 $1.000000000e+00, v7;
	_ =	sdelay $0x1  }
0xb6: {  	v7 =	vmax.f32 v7, $0.0e+00  }
0xb7: {  	v8 =	vshrl.u32 v7, $0x10  }
0xb8: {  	v8 =	vand.u32 $0x1, v8  }
0xb9: {  	v25 =	vld [tilespmem:s3+$0x0];
	v7 =	vadd.s32 v8, v7  }
0xba: {  	v8 =	vld [tilespmem:s3+$0x10];
	v7 =	vadd.s32 $0x7FFF, v7  }
0xbb: {  	v7 =	vand.u32 $0xFFFF0000, v7  }
0xbc: {  	v26 =	vbroadcast v7, $0x0;
	_ =	sdelay $0x1  }
0xbd: {  	v12 =	vbroadcast v7, $0x1;
	v11 =	vmul.f32 v25, v26  }
0xbe: {  	v10 =	vmul.f32 v8, v26  }
0xbf: {  	v13 =	vbroadcast v7, $0x2;
	v27 =	vmul.f32 v25, v12;
	[tilespmem:s9+$0xBC40] =	vst.add.f32.msk $0xffff, v11  }
0xc0: {  	v28 =	vmul.f32 v8, v12;
	[tilespmem:s9+$0xBC50] =	vst.add.f32.msk $0xffff, v10  }
0xc1: {  	v30 =	vbroadcast v7, $0x3;
	v29 =	vmul.f32 v25, v13;
	[tilespmem:s9+$0xBC60] =	vst.add.f32.msk $0xffff, v27  }
0xc2: {  	v31 =	vmul.f32 v8, v13;
	[tilespmem:s9+$0xBC70] =	vst.add.f32.msk $0xffff, v28  }
0xc3: {  	v33 =	vbroadcast v7, $0x4;
	v32 =	vmul.f32 v25, v30;
	[tilespmem:s9+$0xBC80] =	vst.add.f32.msk $0xffff, v29  }
0xc4: {  	v34 =	vmul.f32 v8, v30;
	[tilespmem:s9+$0xBC90] =	vst.add.f32.msk $0xffff, v31  }
0xc5: {  	v36 =	vbroadcast v7, $0x5;
	v35 =	vmul.f32 v25, v33;
	[tilespmem:s9+$0xBCA0] =	vst.add.f32.msk $0xffff, v32  }
0xc6: {  	v37 =	vmul.f32 v8, v33;
	[tilespmem:s9+$0xBCB0] =	vst.add.f32.msk $0xffff, v34  }
0xc7: {  	v39 =	vbroadcast v7, $0x6;
	v38 =	vmul.f32 v25, v36;
	[tilespmem:s9+$0xBCC0] =	vst.add.f32.msk $0xffff, v35  }
0xc8: {  	v40 =	vmul.f32 v8, v36;
	[tilespmem:s9+$0xBCD0] =	vst.add.f32.msk $0xffff, v37  }
0xc9: {  	v42 =	vbroadcast v7, $0x7;
	v41 =	vmul.f32 v25, v39;
	[tilespmem:s9+$0xBCE0] =	vst.add.f32.msk $0xffff, v38  }
0xca: {  	v43 =	vmul.f32 v8, v39;
	[tilespmem:s9+$0xBCF0] =	vst.add.f32.msk $0xffff, v40  }
0xcb: {  	v45 =	vbroadcast v7, $0x8;
	v44 =	vmul.f32 v25, v42;
	[tilespmem:s9+$0xBD00] =	vst.add.f32.msk $0xffff, v41  }
0xcc: {  	v46 =	vmul.f32 v8, v42;
	[tilespmem:s9+$0xBD10] =	vst.add.f32.msk $0xffff, v43  }
0xcd: {  	v48 =	vbroadcast v7, $0x9;
	v47 =	vmul.f32 v25, v45;
	[tilespmem:s9+$0xBD20] =	vst.add.f32.msk $0xffff, v44  }
0xce: {  	v49 =	vmul.f32 v8, v45;
	[tilespmem:s9+$0xBD30] =	vst.add.f32.msk $0xffff, v46  }
0xcf: {  	v51 =	vbroadcast v7, $0xA;
	v50 =	vmul.f32 v25, v48;
	[tilespmem:s9+$0xBD40] =	vst.add.f32.msk $0xffff, v47  }
0xd0: {  	v52 =	vmul.f32 v8, v48;
	[tilespmem:s9+$0xBD50] =	vst.add.f32.msk $0xffff, v49  }
0xd1: {  	v54 =	vbroadcast v7, $0xB;
	v53 =	vmul.f32 v25, v51;
	[tilespmem:s9+$0xBD60] =	vst.add.f32.msk $0xffff, v50  }
0xd2: {  	v55 =	vmul.f32 v8, v51;
	[tilespmem:s9+$0xBD70] =	vst.add.f32.msk $0xffff, v52  }
0xd3: {  	v57 =	vbroadcast v7, $0xC;
	v56 =	vmul.f32 v25, v54;
	[tilespmem:s9+$0xBD80] =	vst.add.f32.msk $0xffff, v53  }
0xd4: {  	v58 =	vmul.f32 v8, v54;
	[tilespmem:s9+$0xBD90] =	vst.add.f32.msk $0xffff, v55  }
0xd5: {  	v60 =	vbroadcast v7, $0xD;
	v59 =	vmul.f32 v25, v57;
	[tilespmem:s9+$0xBDA0] =	vst.add.f32.msk $0xffff, v56  }
0xd6: {  	v61 =	vmul.f32 v8, v57;
	[tilespmem:s9+$0xBDB0] =	vst.add.f32.msk $0xffff, v58  }
0xd7: {  	v7 =	vbroadcast v7, $0xE;
	v62 =	vmul.f32 v25, v60;
	[tilespmem:s9+$0xBDC0] =	vst.add.f32.msk $0xffff, v59  }
.Ltmp9:
0xd8: {  	v63 =	vmul.f32 v8, v60;
	[tilespmem:s9+$0xBDD0] =	vst.add.f32.msk $0xffff, v61;
	(pc) =	sbr.rel .LBB2_6-.Ltmp9, $4  }
0xd9: {  	v9 =	vmul.f32 v25, v7;
	[tilespmem:s9+$0xBDE0] =	vst.add.f32.msk $0xffff, v62  }
0xda: {  	v7 =	vmul.f32 v8, v7;
	[tilespmem:s9+$0xBDF0] =	vst.add.f32.msk $0xffff, v63  }
0xdb: {  	[tilespmem:s9+$0xBE00] =	vst.add.f32.msk $0xffff, v9  }
0xdc: {  	[tilespmem:s9+$0xBE10] =	vst.add.f32.msk $0xffff, v7  }
.LBB2_10:
0xdd: {  	_ =	sfence.sel $0x180000  }
0xde: {  	[bflag:$0x0] =	sbarrier.arrive $0xFFFF  }
0xdf: {  	_ =	strace $0x90000047  }
0xe0: {  	s0 =	stileid.u32;
	[bflag:$0x2] =	sbarrier.arrive $0xFFFF  }
0xe1: {  	p0 =	sne.s32 s0, $0x0;
	s0 =	rddreg [dreg:$0x2]  }
0xe2: {  	s0 =	sadd.s32 @!p0 $0x100000, s0  }
0xe3: {  	[sflag:s0] =	ssyncadd.tile.s32 @!p0 $0x1;
	_ =	shalt  }
.Lfunc_end2:
_tile_overlayer_lowered:
.L_overlay_start_2:
0xe4: {  	(tag) =	ssettag $0x2  }
0xe5: {  	s0 =	rddreg [dreg:$0x0];
	s2 =	stileid.u32  }
0xe6: {  	s1 =	rddreg [dreg:$0x1];
	p0 =	sne.s32 s2, $0x0  }
0xe7: {  	s3 =	rddreg [dreg:$0x2];
	[bflag:$0x3] =	sbarrier.arrive $0xFFFF;
	s2 =	simm.s32 @!p0 $0x1C02  }
0xe8: {  	[timem:s3], [sflag:s2] =	dma.local @!p0 [hbm:s0], s1  }
0xe9: {  	s0 =	simm.s32 @!p0 $0x2  }
0xea: {  	_ =	swait.ge @!p0 [sflag:s0], s1  }
0xeb: {  	s1 =	ssub.s32 @!p0 $0x0, s1;
	[sflag:s0] =	ssyncset.done @!p0 $0x0  }
0xec: {  	[sflag:s0] =	ssyncadd.s32 @!p0 s1  }
0xed: {  	[bflag:$0x3] =	sbarrier.arrive $0xFFFF  }
0xee: {  	_ =	shalt  }

</sc_bundles>
